<compile_context>
chip_gen: v7x
topology: tpu7x:2x2x1
jax: 0.10.2.dev20260603
libtpu: 0.0.44.dev20260713+nightly
codegen_flags: <defaults>
</compile_context>

<pallas_src>
import functools

import jax
import jax.numpy as jnp
from jax import lax
from jax.experimental import pallas as pl
from jax.experimental.pallas import tpu as pltpu
from jax.experimental.pallas import tpu_sc as plsc

_LANES = 16
_KTOK = 128


@functools.partial(jax.jit, static_argnums=(3, 4, 5))
def _sc_embed(idx2, token_table, comb, T, D, NW):
  G = (T // _KTOK) // NW
  mesh = plsc.VectorSubcoreMesh(core_axis_name="c", subcore_axis_name="s")

  @functools.partial(
      pl.kernel,
      mesh=mesh,
      out_type=jax.ShapeDtypeStruct((T, D), jnp.float32),
      scratch_types=[
          pltpu.VMEM((2, 2, _KTOK), jnp.int32),
          pltpu.VMEM((2, _KTOK, D), jnp.float32),
          pltpu.VMEM((2, _KTOK, D), jnp.float32),
      ] + [pltpu.SemaphoreType.DMA] * 8,
  )
  def k(idx_hbm, tab_hbm, comb_hbm, out_hbm, idx_v, rows_v, crows_v,
        s_i0, s_i1, s_ga0, s_ga1, s_gb0, s_gb1, s_o0, s_o1):
    sem_i = (s_i0, s_i1)
    sem_ga = (s_ga0, s_ga1)
    sem_gb = (s_gb0, s_gb1)
    sem_o = (s_o0, s_o1)
    wid = lax.axis_index("s") * 2 + lax.axis_index("c")
    row0 = wid * G

    def issue_idx(r, p):
      pltpu.async_copy(idx_hbm.at[r], idx_v.at[p], sem_i[p])

    def wait_idx(p):
      pltpu.make_async_copy(idx_hbm.at[0], idx_v.at[p], sem_i[p]).wait()

    def issue_gath(p):
      pltpu.async_copy(tab_hbm.at[idx_v.at[p, 0]], rows_v.at[p], sem_ga[p])
      pltpu.async_copy(comb_hbm.at[idx_v.at[p, 1]], crows_v.at[p], sem_gb[p])

    def wait_gath(p):
      pltpu.make_async_copy(tab_hbm.at[idx_v.at[p, 0]], rows_v.at[p],
                            sem_ga[p]).wait()
      pltpu.make_async_copy(comb_hbm.at[idx_v.at[p, 1]], crows_v.at[p],
                            sem_gb[p]).wait()

    def issue_out(r, p):
      pltpu.async_copy(rows_v.at[p], out_hbm.at[pl.ds(r * _KTOK, _KTOK)],
                       sem_o[p])

    def wait_out(p):
      pltpu.make_async_copy(rows_v.at[p], out_hbm.at[pl.ds(0, _KTOK)],
                            sem_o[p]).wait()

    def compute(p):
      def add_body(i, c_):
        for j in range(D // _LANES):
          plsc.addupdate(rows_v.at[p, i, pl.ds(j * _LANES, _LANES)],
                         crows_v[p, i, pl.ds(j * _LANES, _LANES)])
        return c_

      lax.fori_loop(0, _KTOK, add_body, 0, unroll=4)

    issue_idx(row0, 0)
    issue_idx(row0 + 1, 1)
    wait_idx(0)
    issue_gath(0)

    def body(t, carry):
      for b in range(2):
        g = 2 * t + b
        p = b
        q = 1 - b
        r = row0 + g
        wait_gath(p)
        if b == 0:
          wait_idx(q)

          @pl.when(t >= 1)
          def _():
            wait_out(q)

          issue_gath(q)

          @pl.when(t < G // 2 - 1)
          def _():
            issue_idx(r + 2, p)
        else:
          @pl.when(t < G // 2 - 1)
          def _():
            wait_idx(q)
            wait_out(q)
            issue_gath(q)
            issue_idx(r + 2, p)
        compute(p)
        issue_out(r, p)
      return carry

    lax.fori_loop(0, G // 2, body, 0)
    wait_out(0)
    wait_out(1)

  return k(idx2, token_table, comb)


def kernel(x, segment_tokens, token_table, segment_table, pe):
  B, L = x.shape
  V, D = token_table.shape
  T = B * L
  NW = 32
  comb = (segment_table.astype(jnp.float32)[:, None, :]
          + pe[:L, :][None, :, :]).reshape(2 * L, D)
  cidx = (segment_tokens.astype(jnp.int32) * L
          + jnp.arange(L, dtype=jnp.int32)[None, :])
  x2 = x.astype(jnp.int32).reshape(T // _KTOK, _KTOK)
  c2 = cidx.reshape(T // _KTOK, _KTOK)
  idx2 = jnp.stack([x2, c2], axis=1)
  out = _sc_embed(idx2, token_table, comb, T, D, NW)
  return out.reshape(B, L, D)

# --- scband reference (transcript-rebuilt; emitter-appended) ---
"""Pipeline reference for scband-bertembedding-16097537426133 (READ-ONLY COPY).

The authoritative reference and input builder live on the scoring server;
editing this copy changes nothing except your own understanding.
"""

import jax, jax.numpy as jnp
import numpy as np

D_MODEL = 128
VOCAB = 1000000
MAX_SEQ = 512
B = 4096
L = 200


def _make_pe():
    # Faithful vectorization of the torch loop:
    # pe[pos, dim] = sin(pos // 10000 ** (2*dim // d_model)) if pos % 2 == 0
    #                else cos(pos // 10000 ** (2*dim // d_model))
    pos = jnp.arange(MAX_SEQ, dtype=jnp.int64 if jax.config.jax_enable_x64 else jnp.int32)[:, None]
    dim = jnp.arange(D_MODEL, dtype=pos.dtype)[None, :]
    exp = (2 * dim) // D_MODEL  # integer division, values in {0, 1}
    denom = jnp.power(jnp.asarray(10000, dtype=pos.dtype), exp)
    val = (pos // denom).astype(jnp.float32)  # integer floor-division
    pe = jnp.where(pos % 2 == 0, jnp.sin(val), jnp.cos(val)).astype(jnp.float32)
    return pe


def setup_inputs(seed: int = 0) -> dict:
    key = jax.random.key(seed)
    k1, k2, k3, k4 = jax.random.split(key, 4)
    x = jax.random.randint(k1, (B, L), 0, VOCAB, dtype=jnp.int32).astype(jnp.int64 if jax.config.jax_enable_x64 else jnp.int32)
    segment_tokens = jax.random.randint(k2, (B, L), 0, 2, dtype=jnp.int32)
    token_table = jax.random.normal(k3, (VOCAB, D_MODEL), dtype=jnp.float32)  # nn.Embedding default N(0,1)
    segment_table = jax.random.normal(k4, (2, D_MODEL), dtype=jnp.float32)
    pe = _make_pe()
    return {"x": x, "segment_tokens": segment_tokens, "token_table": token_table, "segment_table": segment_table, "pe": pe}


def reference(x, segment_tokens, token_table, segment_table, pe):
    token_embeddings = jnp.take(token_table, x, axis=0)          # gather [B, L, D]
    position_encoding = pe[: x.shape[1], :][None, :, :]          # [1, L, D]
    segment_embedding = jnp.take(segment_table, segment_tokens, axis=0)  # [B, L, D]
    # Dropout is identity in eval mode.
    return token_embeddings + position_encoding + segment_embedding

if __name__ == "__main__":
    import jax
    _d = setup_inputs()
    print(jax.jit(kernel)(*tuple(_d.values())))

</pallas_src>

<mosaic_0001>
#map = affine_map<(d0, d1) -> (0, 0, 0)>
#map1 = affine_map<(d0, d1) -> (0, 0)>
module attributes {stable_mosaic.version = 14 : i64} {
  func.func @k(%arg0: i32, %arg1: i32, %arg2: memref<6400x2x128xi32, #tpu.memory_space<hbm>>, %arg3: memref<1000000x128xf32, #tpu.memory_space<hbm>>, %arg4: memref<400x128xf32, #tpu.memory_space<hbm>>, %arg5: memref<819200x128xf32, #tpu.memory_space<hbm>>, %arg6: memref<2x2x128xi32, #tpu.memory_space<vmem>>, %arg7: memref<2x128x128xf32, #tpu.memory_space<vmem>>, %arg8: memref<2x128x128xf32, #tpu.memory_space<vmem>>, %arg9: memref<!tpu.dma_semaphore, #tpu.memory_space<semaphore_mem>>, %arg10: memref<!tpu.dma_semaphore, #tpu.memory_space<semaphore_mem>>, %arg11: memref<!tpu.dma_semaphore, #tpu.memory_space<semaphore_mem>>, %arg12: memref<!tpu.dma_semaphore, #tpu.memory_space<semaphore_mem>>, %arg13: memref<!tpu.dma_semaphore, #tpu.memory_space<semaphore_mem>>, %arg14: memref<!tpu.dma_semaphore, #tpu.memory_space<semaphore_mem>>, %arg15: memref<!tpu.dma_semaphore, #tpu.memory_space<semaphore_mem>>, %arg16: memref<!tpu.dma_semaphore, #tpu.memory_space<semaphore_mem>>) attributes {dimension_semantics = [#tpu.dimension_semantics<core_parallel>, #tpu.dimension_semantics<subcore_parallel>], iteration_bounds = array<i64: 2, 16>, scalar_prefetch = 0 : i64, scratch_operands = 11 : i64, tpu.core_type = #tpu.core_type<sc_vector_subcore>, window_params = [{transform_indices = #map}, {transform_indices = #map1}, {transform_indices = #map1}, {transform_indices = #map1}]} {
    %mul3A = arith.constant 2 : i32
    %mul3A_0 = arith.muli %arg1, %mul3A : i32
    %add3A = arith.addi %mul3A_0, %arg0 : i32
    %mul3A_1 = arith.constant 200 : i32
    %mul3A_2 = arith.muli %add3A, %mul3A_1 : i32
    %dma_start3A = arith.constant 0 : i32
    %dma_start3A_3 = arith.constant 0 : i32
    %dma_start3A_4 = arith.constant 0 : i32
    %dma_start3A_5 = tpu.memref_slice %arg6[%dma_start3A, %dma_start3A_3, %dma_start3A_4] : memref<2x2x128xi32, #tpu.memory_space<vmem>> -> memref<1x2x128xi32, #tpu.memory_space<vmem>>
    %dma_start3A_6 = tpu.memref_squeeze %dma_start3A_5 : memref<1x2x128xi32, #tpu.memory_space<vmem>> -> memref<2x128xi32, #tpu.memory_space<vmem>>
    %dma_start3A_7 = arith.constant 0 : i32
    %dma_start3A_8 = arith.constant 0 : i32
    %dma_start3A_9 = tpu.memref_slice %arg2[%mul3A_2, %dma_start3A_7, %dma_start3A_8] : memref<6400x2x128xi32, #tpu.memory_space<hbm>> -> memref<1x2x128xi32, #tpu.memory_space<hbm>>
    %dma_start3A_10 = tpu.memref_squeeze %dma_start3A_9 : memref<1x2x128xi32, #tpu.memory_space<hbm>> -> memref<2x128xi32, #tpu.memory_space<hbm>>
    %dma_start3A_11 = arith.constant 0 : i32
    %dma_start3A_12 = arith.constant 0 : i32
    %dma_start3A_13 = tpu.memref_slice %arg6[%dma_start3A, %dma_start3A_11, %dma_start3A_12] : memref<2x2x128xi32, #tpu.memory_space<vmem>> -> memref<1x2x128xi32, #tpu.memory_space<vmem>>
    %dma_start3A_14 = tpu.memref_squeeze %dma_start3A_13 : memref<1x2x128xi32, #tpu.memory_space<vmem>> -> memref<2x128xi32, #tpu.memory_space<vmem>>
    %dma_start3A_15 = arith.constant 0 : i32
    %dma_start3A_16 = arith.constant 0 : i32
    %dma_start3A_17 = tpu.memref_slice %arg2[%mul3A_2, %dma_start3A_15, %dma_start3A_16] : memref<6400x2x128xi32, #tpu.memory_space<hbm>> -> memref<1x2x128xi32, #tpu.memory_space<hbm>>
    %dma_start3A_18 = tpu.memref_squeeze %dma_start3A_17 : memref<1x2x128xi32, #tpu.memory_space<hbm>> -> memref<2x128xi32, #tpu.memory_space<hbm>>
    tpu.enqueue_dma source(%dma_start3A_18 : memref<2x128xi32, #tpu.memory_space<hbm>>) target(%dma_start3A_14 : memref<2x128xi32, #tpu.memory_space<vmem>>) target_semaphore(%arg9 : memref<!tpu.dma_semaphore, #tpu.memory_space<semaphore_mem>>)
    %add3A_19 = arith.constant 1 : i32
    %add3A_20 = arith.addi %mul3A_2, %add3A_19 : i32
    %dma_start3A_21 = arith.constant 1 : i32
    %dma_start3A_22 = arith.constant 0 : i32
    %dma_start3A_23 = arith.constant 0 : i32
    %dma_start3A_24 = tpu.memref_slice %arg6[%dma_start3A_21, %dma_start3A_22, %dma_start3A_23] : memref<2x2x128xi32, #tpu.memory_space<vmem>> -> memref<1x2x128xi32, #tpu.memory_space<vmem>>
    %dma_start3A_25 = tpu.memref_squeeze %dma_start3A_24 : memref<1x2x128xi32, #tpu.memory_space<vmem>> -> memref<2x128xi32, #tpu.memory_space<vmem>>
    %dma_start3A_26 = arith.constant 0 : i32
    %dma_start3A_27 = arith.constant 0 : i32
    %dma_start3A_28 = tpu.memref_slice %arg2[%add3A_20, %dma_start3A_26, %dma_start3A_27] : memref<6400x2x128xi32, #tpu.memory_space<hbm>> -> memref<1x2x128xi32, #tpu.memory_space<hbm>>
    %dma_start3A_29 = tpu.memref_squeeze %dma_start3A_28 : memref<1x2x128xi32, #tpu.memory_space<hbm>> -> memref<2x128xi32, #tpu.memory_space<hbm>>
    %dma_start3A_30 = arith.constant 0 : i32
    %dma_start3A_31 = arith.constant 0 : i32
    %dma_start3A_32 = tpu.memref_slice %arg6[%dma_start3A_21, %dma_start3A_30, %dma_start3A_31] : memref<2x2x128xi32, #tpu.memory_space<vmem>> -> memref<1x2x128xi32, #tpu.memory_space<vmem>>
    %dma_start3A_33 = tpu.memref_squeeze %dma_start3A_32 : memref<1x2x128xi32, #tpu.memory_space<vmem>> -> memref<2x128xi32, #tpu.memory_space<vmem>>
    %dma_start3A_34 = arith.constant 0 : i32
    %dma_start3A_35 = arith.constant 0 : i32
    %dma_start3A_36 = tpu.memref_slice %arg2[%add3A_20, %dma_start3A_34, %dma_start3A_35] : memref<6400x2x128xi32, #tpu.memory_space<hbm>> -> memref<1x2x128xi32, #tpu.memory_space<hbm>>
    %dma_start3A_37 = tpu.memref_squeeze %dma_start3A_36 : memref<1x2x128xi32, #tpu.memory_space<hbm>> -> memref<2x128xi32, #tpu.memory_space<hbm>>
    tpu.enqueue_dma source(%dma_start3A_37 : memref<2x128xi32, #tpu.memory_space<hbm>>) target(%dma_start3A_33 : memref<2x128xi32, #tpu.memory_space<vmem>>) target_semaphore(%arg10 : memref<!tpu.dma_semaphore, #tpu.memory_space<semaphore_mem>>)
    %dma_wait3A = arith.constant 0 : i32
    %dma_wait3A_38 = arith.constant 0 : i32
    %dma_wait3A_39 = arith.constant 0 : i32
    %dma_wait3A_40 = arith.constant 0 : i32
    %dma_wait3A_41 = tpu.memref_slice %arg6[%dma_wait3A_38, %dma_wait3A_39, %dma_wait3A_40] : memref<2x2x128xi32, #tpu.memory_space<vmem>> -> memref<1x2x128xi32, #tpu.memory_space<vmem>>
    %dma_wait3A_42 = tpu.memref_squeeze %dma_wait3A_41 : memref<1x2x128xi32, #tpu.memory_space<vmem>> -> memref<2x128xi32, #tpu.memory_space<vmem>>
    %dma_wait3A_43 = arith.constant 0 : i32
    %dma_wait3A_44 = arith.constant 0 : i32
    %dma_wait3A_45 = tpu.memref_slice %arg2[%dma_wait3A, %dma_wait3A_43, %dma_wait3A_44] : memref<6400x2x128xi32, #tpu.memory_space<hbm>> -> memref<1x2x128xi32, #tpu.memory_space<hbm>>
    %dma_wait3A_46 = tpu.memref_squeeze %dma_wait3A_45 : memref<1x2x128xi32, #tpu.memory_space<hbm>> -> memref<2x128xi32, #tpu.memory_space<hbm>>
    %dma_wait3A_47 = arith.constant 0 : i32
    %dma_wait3A_48 = arith.constant 0 : i32
    %dma_wait3A_49 = tpu.memref_slice %arg6[%dma_wait3A_38, %dma_wait3A_47, %dma_wait3A_48] : memref<2x2x128xi32, #tpu.memory_space<vmem>> -> memref<1x2x128xi32, #tpu.memory_space<vmem>>
    %dma_wait3A_50 = tpu.memref_squeeze %dma_wait3A_49 : memref<1x2x128xi32, #tpu.memory_space<vmem>> -> memref<2x128xi32, #tpu.memory_space<vmem>>
    %dma_wait3A_51 = arith.constant 0 : i32
    %dma_wait3A_52 = arith.constant 0 : i32
    %dma_wait3A_53 = tpu.memref_slice %arg2[%dma_wait3A, %dma_wait3A_51, %dma_wait3A_52] : memref<6400x2x128xi32, #tpu.memory_space<hbm>> -> memref<1x2x128xi32, #tpu.memory_space<hbm>>
    %dma_wait3A_54 = tpu.memref_squeeze %dma_wait3A_53 : memref<1x2x128xi32, #tpu.memory_space<hbm>> -> memref<2x128xi32, #tpu.memory_space<hbm>>
    tpu.wait_dma2 semaphore(%arg9 : memref<!tpu.dma_semaphore, #tpu.memory_space<semaphore_mem>>) src(%dma_wait3A_54 : memref<2x128xi32, #tpu.memory_space<hbm>>) dst(%dma_wait3A_50 : memref<2x128xi32, #tpu.memory_space<vmem>>)
    %dma_start3A_55 = arith.constant 0 : i32
    %dma_start3A_56 = arith.constant 0 : i32
    %dma_start3A_57 = arith.constant 0 : i32
    %dma_start3A_58 = arith.constant 0 : i32
    %dma_start3A_59 = arith.constant 0 : i32
    %dma_start3A_60 = tpu.memref_slice %arg7[%dma_start3A_57, %dma_start3A_58, %dma_start3A_59] : memref<2x128x128xf32, #tpu.memory_space<vmem>> -> memref<1x128x128xf32, #tpu.memory_space<vmem>>
    %dma_start3A_61 = tpu.memref_squeeze %dma_start3A_60 : memref<1x128x128xf32, #tpu.memory_space<vmem>> -> memref<128x128xf32, #tpu.memory_space<vmem>>
    %dma_start3A_62 = arith.constant 0 : i32
    %dma_start3A_63 = tpu.memref_slice %arg6[%dma_start3A_55, %dma_start3A_56, %dma_start3A_62] : memref<2x2x128xi32, #tpu.memory_space<vmem>> -> memref<1x1x128xi32, #tpu.memory_space<vmem>>
    %dma_start3A_64 = tpu.memref_squeeze %dma_start3A_63 : memref<1x1x128xi32, #tpu.memory_space<vmem>> -> memref<128xi32, #tpu.memory_space<vmem>>
    %dma_start3A_65 = arith.constant 0 : i32
    %dma_start3A_66 = arith.constant 0 : i32
    %dma_start3A_67 = tpu.memref_slice %arg3[%dma_start3A_65, %dma_start3A_66] : memref<1000000x128xf32, #tpu.memory_space<hbm>> -> memref<1000000x128xf32, #tpu.memory_space<hbm>>
    tpu.enqueue_indirect_dma source(%dma_start3A_67 : memref<1000000x128xf32, #tpu.memory_space<hbm>>) target(%dma_start3A_61 : memref<128x128xf32, #tpu.memory_space<vmem>>) offsets(%dma_start3A_64 : memref<128xi32, #tpu.memory_space<vmem>>) semaphore(%arg11 : memref<!tpu.dma_semaphore, #tpu.memory_space<semaphore_mem>>)
    %dma_start3A_68 = arith.constant 0 : i32
    %dma_start3A_69 = arith.constant 1 : i32
    %dma_start3A_70 = arith.constant 0 : i32
    %dma_start3A_71 = arith.constant 0 : i32
    %dma_start3A_72 = arith.constant 0 : i32
    %dma_start3A_73 = tpu.memref_slice %arg8[%dma_start3A_70, %dma_start3A_71, %dma_start3A_72] : memref<2x128x128xf32, #tpu.memory_space<vmem>> -> memref<1x128x128xf32, #tpu.memory_space<vmem>>
    %dma_start3A_74 = tpu.memref_squeeze %dma_start3A_73 : memref<1x128x128xf32, #tpu.memory_space<vmem>> -> memref<128x128xf32, #tpu.memory_space<vmem>>
    %dma_start3A_75 = arith.constant 0 : i32
    %dma_start3A_76 = tpu.memref_slice %arg6[%dma_start3A_68, %dma_start3A_69, %dma_start3A_75] : memref<2x2x128xi32, #tpu.memory_space<vmem>> -> memref<1x1x128xi32, #tpu.memory_space<vmem>>
    %dma_start3A_77 = tpu.memref_squeeze %dma_start3A_76 : memref<1x1x128xi32, #tpu.memory_space<vmem>> -> memref<128xi32, #tpu.memory_space<vmem>>
    %dma_start3A_78 = arith.constant 0 : i32
    %dma_start3A_79 = arith.constant 0 : i32
    %dma_start3A_80 = tpu.memref_slice %arg4[%dma_start3A_78, %dma_start3A_79] : memref<400x128xf32, #tpu.memory_space<hbm>> -> memref<400x128xf32, #tpu.memory_space<hbm>>
    tpu.enqueue_indirect_dma source(%dma_start3A_80 : memref<400x128xf32, #tpu.memory_space<hbm>>) target(%dma_start3A_74 : memref<128x128xf32, #tpu.memory_space<vmem>>) offsets(%dma_start3A_77 : memref<128xi32, #tpu.memory_space<vmem>>) semaphore(%arg13 : memref<!tpu.dma_semaphore, #tpu.memory_space<semaphore_mem>>)
    %scan3A = arith.constant 0 : i32
    %scan3A_81 = arith.constant 0 : i32
    %scan3A_82 = arith.constant 100 : i32
    %scan3A_83 = arith.addi %scan3A_81, %scan3A_82 : i32
    %scan3A_84 = arith.constant 1 : i32
    scf.for %scan3A_116 = %scan3A_81 to %scan3A_83 step %scan3A_84  : i32 {
      %mul3A_117 = arith.constant 2 : i32
      %mul3A_118 = arith.muli %mul3A_117, %scan3A_116 : i32
      %add3A_119 = arith.constant 0 : i32
      %add3A_120 = arith.addi %mul3A_118, %add3A_119 : i32
      %add3A_121 = arith.addi %mul3A_2, %add3A_120 : i32
      %dma_wait3A_122 = arith.constant 0 : i32
      %dma_wait3A_123 = arith.constant 0 : i32
      %dma_wait3A_124 = arith.constant 0 : i32
      %dma_wait3A_125 = arith.constant 0 : i32
      %dma_wait3A_126 = arith.constant 0 : i32
      %dma_wait3A_127 = tpu.memref_slice %arg7[%dma_wait3A_124, %dma_wait3A_125, %dma_wait3A_126] : memref<2x128x128xf32, #tpu.memory_space<vmem>> -> memref<1x128x128xf32, #tpu.memory_space<vmem>>
      %dma_wait3A_128 = tpu.memref_squeeze %dma_wait3A_127 : memref<1x128x128xf32, #tpu.memory_space<vmem>> -> memref<128x128xf32, #tpu.memory_space<vmem>>
      %dma_wait3A_129 = arith.constant 0 : i32
      %dma_wait3A_130 = tpu.memref_slice %arg6[%dma_wait3A_122, %dma_wait3A_123, %dma_wait3A_129] : memref<2x2x128xi32, #tpu.memory_space<vmem>> -> memref<1x1x128xi32, #tpu.memory_space<vmem>>
      %dma_wait3A_131 = tpu.memref_squeeze %dma_wait3A_130 : memref<1x1x128xi32, #tpu.memory_space<vmem>> -> memref<128xi32, #tpu.memory_space<vmem>>
      %dma_wait3A_132 = arith.constant 0 : i32
      %dma_wait3A_133 = arith.constant 0 : i32
      %dma_wait3A_134 = tpu.memref_slice %arg3[%dma_wait3A_132, %dma_wait3A_133] : memref<1000000x128xf32, #tpu.memory_space<hbm>> -> memref<1000000x128xf32, #tpu.memory_space<hbm>>
      tpu.wait_indirect_dma semaphore(%arg11 : memref<!tpu.dma_semaphore, #tpu.memory_space<semaphore_mem>>) src(%dma_wait3A_134 : memref<1000000x128xf32, #tpu.memory_space<hbm>>) dst(%dma_wait3A_128 : memref<128x128xf32, #tpu.memory_space<vmem>>)
      %dma_wait3A_135 = arith.constant 0 : i32
      %dma_wait3A_136 = arith.constant 1 : i32
      %dma_wait3A_137 = arith.constant 0 : i32
      %dma_wait3A_138 = arith.constant 0 : i32
      %dma_wait3A_139 = arith.constant 0 : i32
      %dma_wait3A_140 = tpu.memref_slice %arg8[%dma_wait3A_137, %dma_wait3A_138, %dma_wait3A_139] : memref<2x128x128xf32, #tpu.memory_space<vmem>> -> memref<1x128x128xf32, #tpu.memory_space<vmem>>
      %dma_wait3A_141 = tpu.memref_squeeze %dma_wait3A_140 : memref<1x128x128xf32, #tpu.memory_space<vmem>> -> memref<128x128xf32, #tpu.memory_space<vmem>>
      %dma_wait3A_142 = arith.constant 0 : i32
      %dma_wait3A_143 = tpu.memref_slice %arg6[%dma_wait3A_135, %dma_wait3A_136, %dma_wait3A_142] : memref<2x2x128xi32, #tpu.memory_space<vmem>> -> memref<1x1x128xi32, #tpu.memory_space<vmem>>
      %dma_wait3A_144 = tpu.memref_squeeze %dma_wait3A_143 : memref<1x1x128xi32, #tpu.memory_space<vmem>> -> memref<128xi32, #tpu.memory_space<vmem>>
      %dma_wait3A_145 = arith.constant 0 : i32
      %dma_wait3A_146 = arith.constant 0 : i32
      %dma_wait3A_147 = tpu.memref_slice %arg4[%dma_wait3A_145, %dma_wait3A_146] : memref<400x128xf32, #tpu.memory_space<hbm>> -> memref<400x128xf32, #tpu.memory_space<hbm>>
      tpu.wait_indirect_dma semaphore(%arg13 : memref<!tpu.dma_semaphore, #tpu.memory_space<semaphore_mem>>) src(%dma_wait3A_147 : memref<400x128xf32, #tpu.memory_space<hbm>>) dst(%dma_wait3A_141 : memref<128x128xf32, #tpu.memory_space<vmem>>)
      %dma_wait3A_148 = arith.constant 0 : i32
      %dma_wait3A_149 = arith.constant 1 : i32
      %dma_wait3A_150 = arith.constant 0 : i32
      %dma_wait3A_151 = arith.constant 0 : i32
      %dma_wait3A_152 = tpu.memref_slice %arg6[%dma_wait3A_149, %dma_wait3A_150, %dma_wait3A_151] : memref<2x2x128xi32, #tpu.memory_space<vmem>> -> memref<1x2x128xi32, #tpu.memory_space<vmem>>
      %dma_wait3A_153 = tpu.memref_squeeze %dma_wait3A_152 : memref<1x2x128xi32, #tpu.memory_space<vmem>> -> memref<2x128xi32, #tpu.memory_space<vmem>>
      %dma_wait3A_154 = arith.constant 0 : i32
      %dma_wait3A_155 = arith.constant 0 : i32
      %dma_wait3A_156 = tpu.memref_slice %arg2[%dma_wait3A_148, %dma_wait3A_154, %dma_wait3A_155] : memref<6400x2x128xi32, #tpu.memory_space<hbm>> -> memref<1x2x128xi32, #tpu.memory_space<hbm>>
      %dma_wait3A_157 = tpu.memref_squeeze %dma_wait3A_156 : memref<1x2x128xi32, #tpu.memory_space<hbm>> -> memref<2x128xi32, #tpu.memory_space<hbm>>
      %dma_wait3A_158 = arith.constant 0 : i32
      %dma_wait3A_159 = arith.constant 0 : i32
      %dma_wait3A_160 = tpu.memref_slice %arg6[%dma_wait3A_149, %dma_wait3A_158, %dma_wait3A_159] : memref<2x2x128xi32, #tpu.memory_space<vmem>> -> memref<1x2x128xi32, #tpu.memory_space<vmem>>
      %dma_wait3A_161 = tpu.memref_squeeze %dma_wait3A_160 : memref<1x2x128xi32, #tpu.memory_space<vmem>> -> memref<2x128xi32, #tpu.memory_space<vmem>>
      %dma_wait3A_162 = arith.constant 0 : i32
      %dma_wait3A_163 = arith.constant 0 : i32
      %dma_wait3A_164 = tpu.memref_slice %arg2[%dma_wait3A_148, %dma_wait3A_162, %dma_wait3A_163] : memref<6400x2x128xi32, #tpu.memory_space<hbm>> -> memref<1x2x128xi32, #tpu.memory_space<hbm>>
      %dma_wait3A_165 = tpu.memref_squeeze %dma_wait3A_164 : memref<1x2x128xi32, #tpu.memory_space<hbm>> -> memref<2x128xi32, #tpu.memory_space<hbm>>
      tpu.wait_dma2 semaphore(%arg10 : memref<!tpu.dma_semaphore, #tpu.memory_space<semaphore_mem>>) src(%dma_wait3A_165 : memref<2x128xi32, #tpu.memory_space<hbm>>) dst(%dma_wait3A_161 : memref<2x128xi32, #tpu.memory_space<vmem>>)
      %ge3A = arith.constant 1 : i32
      %ge3A_166 = arith.cmpi sge, %scan3A_116, %ge3A : i32
      %convert_element_type3A = arith.extui %ge3A_166 : i1 to i32
      %cond3A = arith.constant 0 : i32
      %cond3A_167 = arith.cmpi ne, %convert_element_type3A, %cond3A : i32
      scf.if %cond3A_167 {
        %dma_wait3A_276 = arith.constant 1 : i32
        %dma_wait3A_277 = arith.constant 0 : i32
        %dma_wait3A_278 = arith.constant 0 : i32
        %dma_wait3A_279 = tpu.memref_slice %arg7[%dma_wait3A_276, %dma_wait3A_277, %dma_wait3A_278] : memref<2x128x128xf32, #tpu.memory_space<vmem>> -> memref<1x128x128xf32, #tpu.memory_space<vmem>>
        %dma_wait3A_280 = tpu.memref_squeeze %dma_wait3A_279 : memref<1x128x128xf32, #tpu.memory_space<vmem>> -> memref<128x128xf32, #tpu.memory_space<vmem>>
        %dma_wait3A_281 = arith.constant 0 : i32
        %dma_wait3A_282 = arith.constant 0 : i32
        %dma_wait3A_283 = tpu.memref_slice %arg5[%dma_wait3A_281, %dma_wait3A_282] : memref<819200x128xf32, #tpu.memory_space<hbm>> -> memref<128x128xf32, #tpu.memory_space<hbm>>
        %dma_wait3A_284 = arith.constant 0 : i32
        %dma_wait3A_285 = arith.constant 0 : i32
        %dma_wait3A_286 = tpu.memref_slice %arg5[%dma_wait3A_284, %dma_wait3A_285] : memref<819200x128xf32, #tpu.memory_space<hbm>> -> memref<128x128xf32, #tpu.memory_space<hbm>>
        %dma_wait3A_287 = arith.constant 0 : i32
        %dma_wait3A_288 = arith.constant 0 : i32
        %dma_wait3A_289 = tpu.memref_slice %arg7[%dma_wait3A_276, %dma_wait3A_287, %dma_wait3A_288] : memref<2x128x128xf32, #tpu.memory_space<vmem>> -> memref<1x128x128xf32, #tpu.memory_space<vmem>>
        %dma_wait3A_290 = tpu.memref_squeeze %dma_wait3A_289 : memref<1x128x128xf32, #tpu.memory_space<vmem>> -> memref<128x128xf32, #tpu.memory_space<vmem>>
        tpu.wait_dma2 semaphore(%arg16 : memref<!tpu.dma_semaphore, #tpu.memory_space<semaphore_mem>>) src(%dma_wait3A_290 : memref<128x128xf32, #tpu.memory_space<vmem>>) dst(%dma_wait3A_286 : memref<128x128xf32, #tpu.memory_space<hbm>>)
      } else {
      }
      %dma_start3A_168 = arith.constant 1 : i32
      %dma_start3A_169 = arith.constant 0 : i32
      %dma_start3A_170 = arith.constant 1 : i32
      %dma_start3A_171 = arith.constant 0 : i32
      %dma_start3A_172 = arith.constant 0 : i32
      %dma_start3A_173 = tpu.memref_slice %arg7[%dma_start3A_170, %dma_start3A_171, %dma_start3A_172] : memref<2x128x128xf32, #tpu.memory_space<vmem>> -> memref<1x128x128xf32, #tpu.memory_space<vmem>>
      %dma_start3A_174 = tpu.memref_squeeze %dma_start3A_173 : memref<1x128x128xf32, #tpu.memory_space<vmem>> -> memref<128x128xf32, #tpu.memory_space<vmem>>
      %dma_start3A_175 = arith.constant 0 : i32
      %dma_start3A_176 = tpu.memref_slice %arg6[%dma_start3A_168, %dma_start3A_169, %dma_start3A_175] : memref<2x2x128xi32, #tpu.memory_space<vmem>> -> memref<1x1x128xi32, #tpu.memory_space<vmem>>
      %dma_start3A_177 = tpu.memref_squeeze %dma_start3A_176 : memref<1x1x128xi32, #tpu.memory_space<vmem>> -> memref<128xi32, #tpu.memory_space<vmem>>
      %dma_start3A_178 = arith.constant 0 : i32
      %dma_start3A_179 = arith.constant 0 : i32
      %dma_start3A_180 = tpu.memref_slice %arg3[%dma_start3A_178, %dma_start3A_179] : memref<1000000x128xf32, #tpu.memory_space<hbm>> -> memref<1000000x128xf32, #tpu.memory_space<hbm>>
      tpu.enqueue_indirect_dma source(%dma_start3A_180 : memref<1000000x128xf32, #tpu.memory_space<hbm>>) target(%dma_start3A_174 : memref<128x128xf32, #tpu.memory_space<vmem>>) offsets(%dma_start3A_177 : memref<128xi32, #tpu.memory_space<vmem>>) semaphore(%arg12 : memref<!tpu.dma_semaphore, #tpu.memory_space<semaphore_mem>>)
      %dma_start3A_181 = arith.constant 1 : i32
      %dma_start3A_182 = arith.constant 1 : i32
      %dma_start3A_183 = arith.constant 1 : i32
      %dma_start3A_184 = arith.constant 0 : i32
      %dma_start3A_185 = arith.constant 0 : i32
      %dma_start3A_186 = tpu.memref_slice %arg8[%dma_start3A_183, %dma_start3A_184, %dma_start3A_185] : memref<2x128x128xf32, #tpu.memory_space<vmem>> -> memref<1x128x128xf32, #tpu.memory_space<vmem>>
      %dma_start3A_187 = tpu.memref_squeeze %dma_start3A_186 : memref<1x128x128xf32, #tpu.memory_space<vmem>> -> memref<128x128xf32, #tpu.memory_space<vmem>>
      %dma_start3A_188 = arith.constant 0 : i32
      %dma_start3A_189 = tpu.memref_slice %arg6[%dma_start3A_181, %dma_start3A_182, %dma_start3A_188] : memref<2x2x128xi32, #tpu.memory_space<vmem>> -> memref<1x1x128xi32, #tpu.memory_space<vmem>>
      %dma_start3A_190 = tpu.memref_squeeze %dma_start3A_189 : memref<1x1x128xi32, #tpu.memory_space<vmem>> -> memref<128xi32, #tpu.memory_space<vmem>>
      %dma_start3A_191 = arith.constant 0 : i32
      %dma_start3A_192 = arith.constant 0 : i32
      %dma_start3A_193 = tpu.memref_slice %arg4[%dma_start3A_191, %dma_start3A_192] : memref<400x128xf32, #tpu.memory_space<hbm>> -> memref<400x128xf32, #tpu.memory_space<hbm>>
      tpu.enqueue_indirect_dma source(%dma_start3A_193 : memref<400x128xf32, #tpu.memory_space<hbm>>) target(%dma_start3A_187 : memref<128x128xf32, #tpu.memory_space<vmem>>) offsets(%dma_start3A_190 : memref<128xi32, #tpu.memory_space<vmem>>) semaphore(%arg14 : memref<!tpu.dma_semaphore, #tpu.memory_space<semaphore_mem>>)
      %lt3A = arith.constant 99 : i32
      %lt3A_194 = arith.cmpi slt, %scan3A_116, %lt3A : i32
      %convert_element_type3A_195 = arith.extui %lt3A_194 : i1 to i32
      %cond3A_196 = arith.constant 0 : i32
      %cond3A_197 = arith.cmpi ne, %convert_element_type3A_195, %cond3A_196 : i32
      scf.if %cond3A_197 {
        %add3A_276 = arith.constant 2 : i32
        %add3A_277 = arith.addi %add3A_121, %add3A_276 : i32
        %dma_start3A_278 = arith.constant 0 : i32
        %dma_start3A_279 = arith.constant 0 : i32
        %dma_start3A_280 = arith.constant 0 : i32
        %dma_start3A_281 = tpu.memref_slice %arg6[%dma_start3A_278, %dma_start3A_279, %dma_start3A_280] : memref<2x2x128xi32, #tpu.memory_space<vmem>> -> memref<1x2x128xi32, #tpu.memory_space<vmem>>
        %dma_start3A_282 = tpu.memref_squeeze %dma_start3A_281 : memref<1x2x128xi32, #tpu.memory_space<vmem>> -> memref<2x128xi32, #tpu.memory_space<vmem>>
        %dma_start3A_283 = arith.constant 0 : i32
        %dma_start3A_284 = arith.constant 0 : i32
        %dma_start3A_285 = tpu.memref_slice %arg2[%add3A_277, %dma_start3A_283, %dma_start3A_284] : memref<6400x2x128xi32, #tpu.memory_space<hbm>> -> memref<1x2x128xi32, #tpu.memory_space<hbm>>
        %dma_start3A_286 = tpu.memref_squeeze %dma_start3A_285 : memref<1x2x128xi32, #tpu.memory_space<hbm>> -> memref<2x128xi32, #tpu.memory_space<hbm>>
        %dma_start3A_287 = arith.constant 0 : i32
        %dma_start3A_288 = arith.constant 0 : i32
        %dma_start3A_289 = tpu.memref_slice %arg6[%dma_start3A_278, %dma_start3A_287, %dma_start3A_288] : memref<2x2x128xi32, #tpu.memory_space<vmem>> -> memref<1x2x128xi32, #tpu.memory_space<vmem>>
        %dma_start3A_290 = tpu.memref_squeeze %dma_start3A_289 : memref<1x2x128xi32, #tpu.memory_space<vmem>> -> memref<2x128xi32, #tpu.memory_space<vmem>>
        %dma_start3A_291 = arith.constant 0 : i32
        %dma_start3A_292 = arith.constant 0 : i32
        %dma_start3A_293 = tpu.memref_slice %arg2[%add3A_277, %dma_start3A_291, %dma_start3A_292] : memref<6400x2x128xi32, #tpu.memory_space<hbm>> -> memref<1x2x128xi32, #tpu.memory_space<hbm>>
        %dma_start3A_294 = tpu.memref_squeeze %dma_start3A_293 : memref<1x2x128xi32, #tpu.memory_space<hbm>> -> memref<2x128xi32, #tpu.memory_space<hbm>>
        tpu.enqueue_dma source(%dma_start3A_294 : memref<2x128xi32, #tpu.memory_space<hbm>>) target(%dma_start3A_290 : memref<2x128xi32, #tpu.memory_space<vmem>>) target_semaphore(%arg9 : memref<!tpu.dma_semaphore, #tpu.memory_space<semaphore_mem>>)
      } else {
      }
      %scan3A_198 = arith.constant 0 : i32
      %scan3A_199 = arith.constant 0 : i32
      %scan3A_200 = arith.constant 128 : i32
      %scan3A_201 = arith.addi %scan3A_199, %scan3A_200 : i32
      %scan3A_202 = arith.constant 4 : i32
      scf.for %scan3A_276 = %scan3A_199 to %scan3A_201 step %scan3A_202  : i32 {
        %get3A = arith.constant 0 : i32
        %get3A_277 = arith.index_cast %get3A : i32 to index
        %get3A_278 = arith.index_cast %scan3A_276 : i32 to index
        %get3A_279 = arith.constant 0 : index
        %get3A_280 = tpu.vector_load %arg8[%get3A_277, %get3A_278, %get3A_279] {strides = array<i32>} : memref<2x128x128xf32, #tpu.memory_space<vmem>>, vector<1x1x16xf32>,
        %get3A_281 = vector.shape_cast %get3A_280 : vector<1x1x16xf32> to vector<16xf32>
        %swap3A = arith.constant 0 : i32
        %swap3A_282 = arith.index_cast %swap3A : i32 to index
        %swap3A_283 = arith.index_cast %scan3A_276 : i32 to index
        %swap3A_284 = arith.constant 0 : index
        %swap3A_285 = tpu.vector_load %arg7[%swap3A_282, %swap3A_283, %swap3A_284] {strides = array<i32>} : memref<2x128x128xf32, #tpu.memory_space<vmem>>, vector<1x1x16xf32>,
        %swap3A_286 = vector.shape_cast %swap3A_285 : vector<1x1x16xf32> to vector<16xf32>
        %swap3A_287 = vector.shape_cast %get3A_281 : vector<16xf32> to vector<1x1x16xf32>
        tpu.vector_store %arg7[%swap3A_282, %swap3A_283, %swap3A_284], %swap3A_287 {add = true, strides = array<i32>} : memref<2x128x128xf32, #tpu.memory_space<vmem>>, vector<1x1x16xf32>,
        %get3A_288 = arith.constant 0 : i32
        %get3A_289 = arith.index_cast %get3A_288 : i32 to index
        %get3A_290 = arith.index_cast %scan3A_276 : i32 to index
        %get3A_291 = arith.constant 16 : index
        %get3A_292 = tpu.vector_load %arg8[%get3A_289, %get3A_290, %get3A_291] {strides = array<i32>} : memref<2x128x128xf32, #tpu.memory_space<vmem>>, vector<1x1x16xf32>,
        %get3A_293 = vector.shape_cast %get3A_292 : vector<1x1x16xf32> to vector<16xf32>
        %swap3A_294 = arith.constant 0 : i32
        %swap3A_295 = arith.index_cast %swap3A_294 : i32 to index
        %swap3A_296 = arith.index_cast %scan3A_276 : i32 to index
        %swap3A_297 = arith.constant 16 : index
        %swap3A_298 = tpu.vector_load %arg7[%swap3A_295, %swap3A_296, %swap3A_297] {strides = array<i32>} : memref<2x128x128xf32, #tpu.memory_space<vmem>>, vector<1x1x16xf32>,
        %swap3A_299 = vector.shape_cast %swap3A_298 : vector<1x1x16xf32> to vector<16xf32>
        %swap3A_300 = vector.shape_cast %get3A_293 : vector<16xf32> to vector<1x1x16xf32>
        tpu.vector_store %arg7[%swap3A_295, %swap3A_296, %swap3A_297], %swap3A_300 {add = true, strides = array<i32>} : memref<2x128x128xf32, #tpu.memory_space<vmem>>, vector<1x1x16xf32>,
        %get3A_301 = arith.constant 0 : i32
        %get3A_302 = arith.index_cast %get3A_301 : i32 to index
        %get3A_303 = arith.index_cast %scan3A_276 : i32 to index
        %get3A_304 = arith.constant 32 : index
        %get3A_305 = tpu.vector_load %arg8[%get3A_302, %get3A_303, %get3A_304] {strides = array<i32>} : memref<2x128x128xf32, #tpu.memory_space<vmem>>, vector<1x1x16xf32>,
        %get3A_306 = vector.shape_cast %get3A_305 : vector<1x1x16xf32> to vector<16xf32>
        %swap3A_307 = arith.constant 0 : i32
        %swap3A_308 = arith.index_cast %swap3A_307 : i32 to index
        %swap3A_309 = arith.index_cast %scan3A_276 : i32 to index
        %swap3A_310 = arith.constant 32 : index
        %swap3A_311 = tpu.vector_load %arg7[%swap3A_308, %swap3A_309, %swap3A_310] {strides = array<i32>} : memref<2x128x128xf32, #tpu.memory_space<vmem>>, vector<1x1x16xf32>,
        %swap3A_312 = vector.shape_cast %swap3A_311 : vector<1x1x16xf32> to vector<16xf32>
        %swap3A_313 = vector.shape_cast %get3A_306 : vector<16xf32> to vector<1x1x16xf32>
        tpu.vector_store %arg7[%swap3A_308, %swap3A_309, %swap3A_310], %swap3A_313 {add = true, strides = array<i32>} : memref<2x128x128xf32, #tpu.memory_space<vmem>>, vector<1x1x16xf32>,
        %get3A_314 = arith.constant 0 : i32
        %get3A_315 = arith.index_cast %get3A_314 : i32 to index
        %get3A_316 = arith.index_cast %scan3A_276 : i32 to index
        %get3A_317 = arith.constant 48 : index
        %get3A_318 = tpu.vector_load %arg8[%get3A_315, %get3A_316, %get3A_317] {strides = array<i32>} : memref<2x128x128xf32, #tpu.memory_space<vmem>>, vector<1x1x16xf32>,
        %get3A_319 = vector.shape_cast %get3A_318 : vector<1x1x16xf32> to vector<16xf32>
        %swap3A_320 = arith.constant 0 : i32
        %swap3A_321 = arith.index_cast %swap3A_320 : i32 to index
        %swap3A_322 = arith.index_cast %scan3A_276 : i32 to index
        %swap3A_323 = arith.constant 48 : index
        %swap3A_324 = tpu.vector_load %arg7[%swap3A_321, %swap3A_322, %swap3A_323] {strides = array<i32>} : memref<2x128x128xf32, #tpu.memory_space<vmem>>, vector<1x1x16xf32>,
        %swap3A_325 = vector.shape_cast %swap3A_324 : vector<1x1x16xf32> to vector<16xf32>
        %swap3A_326 = vector.shape_cast %get3A_319 : vector<16xf32> to vector<1x1x16xf32>
        tpu.vector_store %arg7[%swap3A_321, %swap3A_322, %swap3A_323], %swap3A_326 {add = true, strides = array<i32>} : memref<2x128x128xf32, #tpu.memory_space<vmem>>, vector<1x1x16xf32>,
        %get3A_327 = arith.constant 0 : i32
        %get3A_328 = arith.index_cast %get3A_327 : i32 to index
        %get3A_329 = arith.index_cast %scan3A_276 : i32 to index
        %get3A_330 = arith.constant 64 : index
        %get3A_331 = tpu.vector_load %arg8[%get3A_328, %get3A_329, %get3A_330] {strides = array<i32>} : memref<2x128x128xf32, #tpu.memory_space<vmem>>, vector<1x1x16xf32>,
        %get3A_332 = vector.shape_cast %get3A_331 : vector<1x1x16xf32> to vector<16xf32>
        %swap3A_333 = arith.constant 0 : i32
        %swap3A_334 = arith.index_cast %swap3A_333 : i32 to index
        %swap3A_335 = arith.index_cast %scan3A_276 : i32 to index
        %swap3A_336 = arith.constant 64 : index
        %swap3A_337 = tpu.vector_load %arg7[%swap3A_334, %swap3A_335, %swap3A_336] {strides = array<i32>} : memref<2x128x128xf32, #tpu.memory_space<vmem>>, vector<1x1x16xf32>,
        %swap3A_338 = vector.shape_cast %swap3A_337 : vector<1x1x16xf32> to vector<16xf32>
        %swap3A_339 = vector.shape_cast %get3A_332 : vector<16xf32> to vector<1x1x16xf32>
        tpu.vector_store %arg7[%swap3A_334, %swap3A_335, %swap3A_336], %swap3A_339 {add = true, strides = array<i32>} : memref<2x128x128xf32, #tpu.memory_space<vmem>>, vector<1x1x16xf32>,
        %get3A_340 = arith.constant 0 : i32
        %get3A_341 = arith.index_cast %get3A_340 : i32 to index
        %get3A_342 = arith.index_cast %scan3A_276 : i32 to index
        %get3A_343 = arith.constant 80 : index
        %get3A_344 = tpu.vector_load %arg8[%get3A_341, %get3A_342, %get3A_343] {strides = array<i32>} : memref<2x128x128xf32, #tpu.memory_space<vmem>>, vector<1x1x16xf32>,
        %get3A_345 = vector.shape_cast %get3A_344 : vector<1x1x16xf32> to vector<16xf32>
        %swap3A_346 = arith.constant 0 : i32
        %swap3A_347 = arith.index_cast %swap3A_346 : i32 to index
        %swap3A_348 = arith.index_cast %scan3A_276 : i32 to index
        %swap3A_349 = arith.constant 80 : index
        %swap3A_350 = tpu.vector_load %arg7[%swap3A_347, %swap3A_348, %swap3A_349] {strides = array<i32>} : memref<2x128x128xf32, #tpu.memory_space<vmem>>, vector<1x1x16xf32>,
        %swap3A_351 = vector.shape_cast %swap3A_350 : vector<1x1x16xf32> to vector<16xf32>
        %swap3A_352 = vector.shape_cast %get3A_345 : vector<16xf32> to vector<1x1x16xf32>
        tpu.vector_store %arg7[%swap3A_347, %swap3A_348, %swap3A_349], %swap3A_352 {add = true, strides = array<i32>} : memref<2x128x128xf32, #tpu.memory_space<vmem>>, vector<1x1x16xf32>,
        %get3A_353 = arith.constant 0 : i32
        %get3A_354 = arith.index_cast %get3A_353 : i32 to index
        %get3A_355 = arith.index_cast %scan3A_276 : i32 to index
        %get3A_356 = arith.constant 96 : index
        %get3A_357 = tpu.vector_load %arg8[%get3A_354, %get3A_355, %get3A_356] {strides = array<i32>} : memref<2x128x128xf32, #tpu.memory_space<vmem>>, vector<1x1x16xf32>,
        %get3A_358 = vector.shape_cast %get3A_357 : vector<1x1x16xf32> to vector<16xf32>
        %swap3A_359 = arith.constant 0 : i32
        %swap3A_360 = arith.index_cast %swap3A_359 : i32 to index
        %swap3A_361 = arith.index_cast %scan3A_276 : i32 to index
        %swap3A_362 = arith.constant 96 : index
        %swap3A_363 = tpu.vector_load %arg7[%swap3A_360, %swap3A_361, %swap3A_362] {strides = array<i32>} : memref<2x128x128xf32, #tpu.memory_space<vmem>>, vector<1x1x16xf32>,
        %swap3A_364 = vector.shape_cast %swap3A_363 : vector<1x1x16xf32> to vector<16xf32>
        %swap3A_365 = vector.shape_cast %get3A_358 : vector<16xf32> to vector<1x1x16xf32>
        tpu.vector_store %arg7[%swap3A_360, %swap3A_361, %swap3A_362], %swap3A_365 {add = true, strides = array<i32>} : memref<2x128x128xf32, #tpu.memory_space<vmem>>, vector<1x1x16xf32>,
        %get3A_366 = arith.constant 0 : i32
        %get3A_367 = arith.index_cast %get3A_366 : i32 to index
        %get3A_368 = arith.index_cast %scan3A_276 : i32 to index
        %get3A_369 = arith.constant 112 : index
        %get3A_370 = tpu.vector_load %arg8[%get3A_367, %get3A_368, %get3A_369] {strides = array<i32>} : memref<2x128x128xf32, #tpu.memory_space<vmem>>, vector<1x1x16xf32>,
        %get3A_371 = vector.shape_cast %get3A_370 : vector<1x1x16xf32> to vector<16xf32>
        %swap3A_372 = arith.constant 0 : i32
        %swap3A_373 = arith.index_cast %swap3A_372 : i32 to index
        %swap3A_374 = arith.index_cast %scan3A_276 : i32 to index
        %swap3A_375 = arith.constant 112 : index
        %swap3A_376 = tpu.vector_load %arg7[%swap3A_373, %swap3A_374, %swap3A_375] {strides = array<i32>} : memref<2x128x128xf32, #tpu.memory_space<vmem>>, vector<1x1x16xf32>,
        %swap3A_377 = vector.shape_cast %swap3A_376 : vector<1x1x16xf32> to vector<16xf32>
        %swap3A_378 = vector.shape_cast %get3A_371 : vector<16xf32> to vector<1x1x16xf32>
        tpu.vector_store %arg7[%swap3A_373, %swap3A_374, %swap3A_375], %swap3A_378 {add = true, strides = array<i32>} : memref<2x128x128xf32, #tpu.memory_space<vmem>>, vector<1x1x16xf32>,
        %scan3A_379 = arith.constant 1 : i32
        %scan3A_380 = arith.addi %scan3A_276, %scan3A_379 : i32
        %get3A_381 = arith.constant 0 : i32
        %get3A_382 = arith.index_cast %get3A_381 : i32 to index
        %get3A_383 = arith.index_cast %scan3A_380 : i32 to index
        %get3A_384 = arith.constant 0 : index
        %get3A_385 = tpu.vector_load %arg8[%get3A_382, %get3A_383, %get3A_384] {strides = array<i32>} : memref<2x128x128xf32, #tpu.memory_space<vmem>>, vector<1x1x16xf32>,
        %get3A_386 = vector.shape_cast %get3A_385 : vector<1x1x16xf32> to vector<16xf32>
        %swap3A_387 = arith.constant 0 : i32
        %swap3A_388 = arith.index_cast %swap3A_387 : i32 to index
        %swap3A_389 = arith.index_cast %scan3A_380 : i32 to index
        %swap3A_390 = arith.constant 0 : index
        %swap3A_391 = tpu.vector_load %arg7[%swap3A_388, %swap3A_389, %swap3A_390] {strides = array<i32>} : memref<2x128x128xf32, #tpu.memory_space<vmem>>, vector<1x1x16xf32>,
        %swap3A_392 = vector.shape_cast %swap3A_391 : vector<1x1x16xf32> to vector<16xf32>
        %swap3A_393 = vector.shape_cast %get3A_386 : vector<16xf32> to vector<1x1x16xf32>
        tpu.vector_store %arg7[%swap3A_388, %swap3A_389, %swap3A_390], %swap3A_393 {add = true, strides = array<i32>} : memref<2x128x128xf32, #tpu.memory_space<vmem>>, vector<1x1x16xf32>,
        %get3A_394 = arith.constant 0 : i32
        %get3A_395 = arith.index_cast %get3A_394 : i32 to index
        %get3A_396 = arith.index_cast %scan3A_380 : i32 to index
        %get3A_397 = arith.constant 16 : index
        %get3A_398 = tpu.vector_load %arg8[%get3A_395, %get3A_396, %get3A_397] {strides = array<i32>} : memref<2x128x128xf32, #tpu.memory_space<vmem>>, vector<1x1x16xf32>,
        %get3A_399 = vector.shape_cast %get3A_398 : vector<1x1x16xf32> to vector<16xf32>
        %swap3A_400 = arith.constant 0 : i32
        %swap3A_401 = arith.index_cast %swap3A_400 : i32 to index
        %swap3A_402 = arith.index_cast %scan3A_380 : i32 to index
        %swap3A_403 = arith.constant 16 : index
        %swap3A_404 = tpu.vector_load %arg7[%swap3A_401, %swap3A_402, %swap3A_403] {strides = array<i32>} : memref<2x128x128xf32, #tpu.memory_space<vmem>>, vector<1x1x16xf32>,
        %swap3A_405 = vector.shape_cast %swap3A_404 : vector<1x1x16xf32> to vector<16xf32>
        %swap3A_406 = vector.shape_cast %get3A_399 : vector<16xf32> to vector<1x1x16xf32>
        tpu.vector_store %arg7[%swap3A_401, %swap3A_402, %swap3A_403], %swap3A_406 {add = true, strides = array<i32>} : memref<2x128x128xf32, #tpu.memory_space<vmem>>, vector<1x1x16xf32>,
        %get3A_407 = arith.constant 0 : i32
        %get3A_408 = arith.index_cast %get3A_407 : i32 to index
        %get3A_409 = arith.index_cast %scan3A_380 : i32 to index
        %get3A_410 = arith.constant 32 : index
        %get3A_411 = tpu.vector_load %arg8[%get3A_408, %get3A_409, %get3A_410] {strides = array<i32>} : memref<2x128x128xf32, #tpu.memory_space<vmem>>, vector<1x1x16xf32>,
        %get3A_412 = vector.shape_cast %get3A_411 : vector<1x1x16xf32> to vector<16xf32>
        %swap3A_413 = arith.constant 0 : i32
        %swap3A_414 = arith.index_cast %swap3A_413 : i32 to index
        %swap3A_415 = arith.index_cast %scan3A_380 : i32 to index
        %swap3A_416 = arith.constant 32 : index
        %swap3A_417 = tpu.vector_load %arg7[%swap3A_414, %swap3A_415, %swap3A_416] {strides = array<i32>} : memref<2x128x128xf32, #tpu.memory_space<vmem>>, vector<1x1x16xf32>,
        %swap3A_418 = vector.shape_cast %swap3A_417 : vector<1x1x16xf32> to vector<16xf32>
        %swap3A_419 = vector.shape_cast %get3A_412 : vector<16xf32> to vector<1x1x16xf32>
        tpu.vector_store %arg7[%swap3A_414, %swap3A_415, %swap3A_416], %swap3A_419 {add = true, strides = array<i32>} : memref<2x128x128xf32, #tpu.memory_space<vmem>>, vector<1x1x16xf32>,
        %get3A_420 = arith.constant 0 : i32
        %get3A_421 = arith.index_cast %get3A_420 : i32 to index
        %get3A_422 = arith.index_cast %scan3A_380 : i32 to index
        %get3A_423 = arith.constant 48 : index
        %get3A_424 = tpu.vector_load %arg8[%get3A_421, %get3A_422, %get3A_423] {strides = array<i32>} : memref<2x128x128xf32, #tpu.memory_space<vmem>>, vector<1x1x16xf32>,
        %get3A_425 = vector.shape_cast %get3A_424 : vector<1x1x16xf32> to vector<16xf32>
        %swap3A_426 = arith.constant 0 : i32
        %swap3A_427 = arith.index_cast %swap3A_426 : i32 to index
        %swap3A_428 = arith.index_cast %scan3A_380 : i32 to index
        %swap3A_429 = arith.constant 48 : index
        %swap3A_430 = tpu.vector_load %arg7[%swap3A_427, %swap3A_428, %swap3A_429] {strides = array<i32>} : memref<2x128x128xf32, #tpu.memory_space<vmem>>, vector<1x1x16xf32>,
        %swap3A_431 = vector.shape_cast %swap3A_430 : vector<1x1x16xf32> to vector<16xf32>
        %swap3A_432 = vector.shape_cast %get3A_425 : vector<16xf32> to vector<1x1x16xf32>
        tpu.vector_store %arg7[%swap3A_427, %swap3A_428, %swap3A_429], %swap3A_432 {add = true, strides = array<i32>} : memref<2x128x128xf32, #tpu.memory_space<vmem>>, vector<1x1x16xf32>,
        %get3A_433 = arith.constant 0 : i32
        %get3A_434 = arith.index_cast %get3A_433 : i32 to index
        %get3A_435 = arith.index_cast %scan3A_380 : i32 to index
        %get3A_436 = arith.constant 64 : index
        %get3A_437 = tpu.vector_load %arg8[%get3A_434, %get3A_435, %get3A_436] {strides = array<i32>} : memref<2x128x128xf32, #tpu.memory_space<vmem>>, vector<1x1x16xf32>,
        %get3A_438 = vector.shape_cast %get3A_437 : vector<1x1x16xf32> to vector<16xf32>
        %swap3A_439 = arith.constant 0 : i32
        %swap3A_440 = arith.index_cast %swap3A_439 : i32 to index
        %swap3A_441 = arith.index_cast %scan3A_380 : i32 to index
        %swap3A_442 = arith.constant 64 : index
        %swap3A_443 = tpu.vector_load %arg7[%swap3A_440, %swap3A_441, %swap3A_442] {strides = array<i32>} : memref<2x128x128xf32, #tpu.memory_space<vmem>>, vector<1x1x16xf32>,
        %swap3A_444 = vector.shape_cast %swap3A_443 : vector<1x1x16xf32> to vector<16xf32>
        %swap3A_445 = vector.shape_cast %get3A_438 : vector<16xf32> to vector<1x1x16xf32>
        tpu.vector_store %arg7[%swap3A_440, %swap3A_441, %swap3A_442], %swap3A_445 {add = true, strides = array<i32>} : memref<2x128x128xf32, #tpu.memory_space<vmem>>, vector<1x1x16xf32>,
        %get3A_446 = arith.constant 0 : i32
        %get3A_447 = arith.index_cast %get3A_446 : i32 to index
        %get3A_448 = arith.index_cast %scan3A_380 : i32 to index
        %get3A_449 = arith.constant 80 : index
        %get3A_450 = tpu.vector_load %arg8[%get3A_447, %get3A_448, %get3A_449] {strides = array<i32>} : memref<2x128x128xf32, #tpu.memory_space<vmem>>, vector<1x1x16xf32>,
        %get3A_451 = vector.shape_cast %get3A_450 : vector<1x1x16xf32> to vector<16xf32>
        %swap3A_452 = arith.constant 0 : i32
        %swap3A_453 = arith.index_cast %swap3A_452 : i32 to index
        %swap3A_454 = arith.index_cast %scan3A_380 : i32 to index
        %swap3A_455 = arith.constant 80 : index
        %swap3A_456 = tpu.vector_load %arg7[%swap3A_453, %swap3A_454, %swap3A_455] {strides = array<i32>} : memref<2x128x128xf32, #tpu.memory_space<vmem>>, vector<1x1x16xf32>,
        %swap3A_457 = vector.shape_cast %swap3A_456 : vector<1x1x16xf32> to vector<16xf32>
        %swap3A_458 = vector.shape_cast %get3A_451 : vector<16xf32> to vector<1x1x16xf32>
        tpu.vector_store %arg7[%swap3A_453, %swap3A_454, %swap3A_455], %swap3A_458 {add = true, strides = array<i32>} : memref<2x128x128xf32, #tpu.memory_space<vmem>>, vector<1x1x16xf32>,
        %get3A_459 = arith.constant 0 : i32
        %get3A_460 = arith.index_cast %get3A_459 : i32 to index
        %get3A_461 = arith.index_cast %scan3A_380 : i32 to index
        %get3A_462 = arith.constant 96 : index
        %get3A_463 = tpu.vector_load %arg8[%get3A_460, %get3A_461, %get3A_462] {strides = array<i32>} : memref<2x128x128xf32, #tpu.memory_space<vmem>>, vector<1x1x16xf32>,
        %get3A_464 = vector.shape_cast %get3A_463 : vector<1x1x16xf32> to vector<16xf32>
        %swap3A_465 = arith.constant 0 : i32
        %swap3A_466 = arith.index_cast %swap3A_465 : i32 to index
        %swap3A_467 = arith.index_cast %scan3A_380 : i32 to index
        %swap3A_468 = arith.constant 96 : index
        %swap3A_469 = tpu.vector_load %arg7[%swap3A_466, %swap3A_467, %swap3A_468] {strides = array<i32>} : memref<2x128x128xf32, #tpu.memory_space<vmem>>, vector<1x1x16xf32>,
        %swap3A_470 = vector.shape_cast %swap3A_469 : vector<1x1x16xf32> to vector<16xf32>
        %swap3A_471 = vector.shape_cast %get3A_464 : vector<16xf32> to vector<1x1x16xf32>
        tpu.vector_store %arg7[%swap3A_466, %swap3A_467, %swap3A_468], %swap3A_471 {add = true, strides = array<i32>} : memref<2x128x128xf32, #tpu.memory_space<vmem>>, vector<1x1x16xf32>,
        %get3A_472 = arith.constant 0 : i32
        %get3A_473 = arith.index_cast %get3A_472 : i32 to index
        %get3A_474 = arith.index_cast %scan3A_380 : i32 to index
        %get3A_475 = arith.constant 112 : index
        %get3A_476 = tpu.vector_load %arg8[%get3A_473, %get3A_474, %get3A_475] {strides = array<i32>} : memref<2x128x128xf32, #tpu.memory_space<vmem>>, vector<1x1x16xf32>,
        %get3A_477 = vector.shape_cast %get3A_476 : vector<1x1x16xf32> to vector<16xf32>
        %swap3A_478 = arith.constant 0 : i32
        %swap3A_479 = arith.index_cast %swap3A_478 : i32 to index
        %swap3A_480 = arith.index_cast %scan3A_380 : i32 to index
        %swap3A_481 = arith.constant 112 : index
        %swap3A_482 = tpu.vector_load %arg7[%swap3A_479, %swap3A_480, %swap3A_481] {strides = array<i32>} : memref<2x128x128xf32, #tpu.memory_space<vmem>>, vector<1x1x16xf32>,
        %swap3A_483 = vector.shape_cast %swap3A_482 : vector<1x1x16xf32> to vector<16xf32>
        %swap3A_484 = vector.shape_cast %get3A_477 : vector<16xf32> to vector<1x1x16xf32>
        tpu.vector_store %arg7[%swap3A_479, %swap3A_480, %swap3A_481], %swap3A_484 {add = true, strides = array<i32>} : memref<2x128x128xf32, #tpu.memory_space<vmem>>, vector<1x1x16xf32>,
        %scan3A_485 = arith.constant 2 : i32
        %scan3A_486 = arith.addi %scan3A_276, %scan3A_485 : i32
        %get3A_487 = arith.constant 0 : i32
        %get3A_488 = arith.index_cast %get3A_487 : i32 to index
        %get3A_489 = arith.index_cast %scan3A_486 : i32 to index
        %get3A_490 = arith.constant 0 : index
        %get3A_491 = tpu.vector_load %arg8[%get3A_488, %get3A_489, %get3A_490] {strides = array<i32>} : memref<2x128x128xf32, #tpu.memory_space<vmem>>, vector<1x1x16xf32>,
        %get3A_492 = vector.shape_cast %get3A_491 : vector<1x1x16xf32> to vector<16xf32>
        %swap3A_493 = arith.constant 0 : i32
        %swap3A_494 = arith.index_cast %swap3A_493 : i32 to index
        %swap3A_495 = arith.index_cast %scan3A_486 : i32 to index
        %swap3A_496 = arith.constant 0 : index
        %swap3A_497 = tpu.vector_load %arg7[%swap3A_494, %swap3A_495, %swap3A_496] {strides = array<i32>} : memref<2x128x128xf32, #tpu.memory_space<vmem>>, vector<1x1x16xf32>,
        %swap3A_498 = vector.shape_cast %swap3A_497 : vector<1x1x16xf32> to vector<16xf32>
        %swap3A_499 = vector.shape_cast %get3A_492 : vector<16xf32> to vector<1x1x16xf32>
        tpu.vector_store %arg7[%swap3A_494, %swap3A_495, %swap3A_496], %swap3A_499 {add = true, strides = array<i32>} : memref<2x128x128xf32, #tpu.memory_space<vmem>>, vector<1x1x16xf32>,
        %get3A_500 = arith.constant 0 : i32
        %get3A_501 = arith.index_cast %get3A_500 : i32 to index
        %get3A_502 = arith.index_cast %scan3A_486 : i32 to index
        %get3A_503 = arith.constant 16 : index
        %get3A_504 = tpu.vector_load %arg8[%get3A_501, %get3A_502, %get3A_503] {strides = array<i32>} : memref<2x128x128xf32, #tpu.memory_space<vmem>>, vector<1x1x16xf32>,
        %get3A_505 = vector.shape_cast %get3A_504 : vector<1x1x16xf32> to vector<16xf32>
        %swap3A_506 = arith.constant 0 : i32
        %swap3A_507 = arith.index_cast %swap3A_506 : i32 to index
        %swap3A_508 = arith.index_cast %scan3A_486 : i32 to index
        %swap3A_509 = arith.constant 16 : index
        %swap3A_510 = tpu.vector_load %arg7[%swap3A_507, %swap3A_508, %swap3A_509] {strides = array<i32>} : memref<2x128x128xf32, #tpu.memory_space<vmem>>, vector<1x1x16xf32>,
        %swap3A_511 = vector.shape_cast %swap3A_510 : vector<1x1x16xf32> to vector<16xf32>
        %swap3A_512 = vector.shape_cast %get3A_505 : vector<16xf32> to vector<1x1x16xf32>
        tpu.vector_store %arg7[%swap3A_507, %swap3A_508, %swap3A_509], %swap3A_512 {add = true, strides = array<i32>} : memref<2x128x128xf32, #tpu.memory_space<vmem>>, vector<1x1x16xf32>,
        %get3A_513 = arith.constant 0 : i32
        %get3A_514 = arith.index_cast %get3A_513 : i32 to index
        %get3A_515 = arith.index_cast %scan3A_486 : i32 to index
        %get3A_516 = arith.constant 32 : index
        %get3A_517 = tpu.vector_load %arg8[%get3A_514, %get3A_515, %get3A_516] {strides = array<i32>} : memref<2x128x128xf32, #tpu.memory_space<vmem>>, vector<1x1x16xf32>,
        %get3A_518 = vector.shape_cast %get3A_517 : vector<1x1x16xf32> to vector<16xf32>
        %swap3A_519 = arith.constant 0 : i32
        %swap3A_520 = arith.index_cast %swap3A_519 : i32 to index
        %swap3A_521 = arith.index_cast %scan3A_486 : i32 to index
        %swap3A_522 = arith.constant 32 : index
        %swap3A_523 = tpu.vector_load %arg7[%swap3A_520, %swap3A_521, %swap3A_522] {strides = array<i32>} : memref<2x128x128xf32, #tpu.memory_space<vmem>>, vector<1x1x16xf32>,
        %swap3A_524 = vector.shape_cast %swap3A_523 : vector<1x1x16xf32> to vector<16xf32>
        %swap3A_525 = vector.shape_cast %get3A_518 : vector<16xf32> to vector<1x1x16xf32>
        tpu.vector_store %arg7[%swap3A_520, %swap3A_521, %swap3A_522], %swap3A_525 {add = true, strides = array<i32>} : memref<2x128x128xf32, #tpu.memory_space<vmem>>, vector<1x1x16xf32>,
        %get3A_526 = arith.constant 0 : i32
        %get3A_527 = arith.index_cast %get3A_526 : i32 to index
        %get3A_528 = arith.index_cast %scan3A_486 : i32 to index
        %get3A_529 = arith.constant 48 : index
        %get3A_530 = tpu.vector_load %arg8[%get3A_527, %get3A_528, %get3A_529] {strides = array<i32>} : memref<2x128x128xf32, #tpu.memory_space<vmem>>, vector<1x1x16xf32>,
        %get3A_531 = vector.shape_cast %get3A_530 : vector<1x1x16xf32> to vector<16xf32>
        %swap3A_532 = arith.constant 0 : i32
        %swap3A_533 = arith.index_cast %swap3A_532 : i32 to index
        %swap3A_534 = arith.index_cast %scan3A_486 : i32 to index
        %swap3A_535 = arith.constant 48 : index
        %swap3A_536 = tpu.vector_load %arg7[%swap3A_533, %swap3A_534, %swap3A_535] {strides = array<i32>} : memref<2x128x128xf32, #tpu.memory_space<vmem>>, vector<1x1x16xf32>,
        %swap3A_537 = vector.shape_cast %swap3A_536 : vector<1x1x16xf32> to vector<16xf32>
        %swap3A_538 = vector.shape_cast %get3A_531 : vector<16xf32> to vector<1x1x16xf32>
        tpu.vector_store %arg7[%swap3A_533, %swap3A_534, %swap3A_535], %swap3A_538 {add = true, strides = array<i32>} : memref<2x128x128xf32, #tpu.memory_space<vmem>>, vector<1x1x16xf32>,
        %get3A_539 = arith.constant 0 : i32
        %get3A_540 = arith.index_cast %get3A_539 : i32 to index
        %get3A_541 = arith.index_cast %scan3A_486 : i32 to index
        %get3A_542 = arith.constant 64 : index
        %get3A_543 = tpu.vector_load %arg8[%get3A_540, %get3A_541, %get3A_542] {strides = array<i32>} : memref<2x128x128xf32, #tpu.memory_space<vmem>>, vector<1x1x16xf32>,
        %get3A_544 = vector.shape_cast %get3A_543 : vector<1x1x16xf32> to vector<16xf32>
        %swap3A_545 = arith.constant 0 : i32
        %swap3A_546 = arith.index_cast %swap3A_545 : i32 to index
        %swap3A_547 = arith.index_cast %scan3A_486 : i32 to index
        %swap3A_548 = arith.constant 64 : index
        %swap3A_549 = tpu.vector_load %arg7[%swap3A_546, %swap3A_547, %swap3A_548] {strides = array<i32>} : memref<2x128x128xf32, #tpu.memory_space<vmem>>, vector<1x1x16xf32>,
        %swap3A_550 = vector.shape_cast %swap3A_549 : vector<1x1x16xf32> to vector<16xf32>
        %swap3A_551 = vector.shape_cast %get3A_544 : vector<16xf32> to vector<1x1x16xf32>
        tpu.vector_store %arg7[%swap3A_546, %swap3A_547, %swap3A_548], %swap3A_551 {add = true, strides = array<i32>} : memref<2x128x128xf32, #tpu.memory_space<vmem>>, vector<1x1x16xf32>,
        %get3A_552 = arith.constant 0 : i32
        %get3A_553 = arith.index_cast %get3A_552 : i32 to index
        %get3A_554 = arith.index_cast %scan3A_486 : i32 to index
        %get3A_555 = arith.constant 80 : index
        %get3A_556 = tpu.vector_load %arg8[%get3A_553, %get3A_554, %get3A_555] {strides = array<i32>} : memref<2x128x128xf32, #tpu.memory_space<vmem>>, vector<1x1x16xf32>,
        %get3A_557 = vector.shape_cast %get3A_556 : vector<1x1x16xf32> to vector<16xf32>
        %swap3A_558 = arith.constant 0 : i32
        %swap3A_559 = arith.index_cast %swap3A_558 : i32 to index
        %swap3A_560 = arith.index_cast %scan3A_486 : i32 to index
        %swap3A_561 = arith.constant 80 : index
        %swap3A_562 = tpu.vector_load %arg7[%swap3A_559, %swap3A_560, %swap3A_561] {strides = array<i32>} : memref<2x128x128xf32, #tpu.memory_space<vmem>>, vector<1x1x16xf32>,
        %swap3A_563 = vector.shape_cast %swap3A_562 : vector<1x1x16xf32> to vector<16xf32>
        %swap3A_564 = vector.shape_cast %get3A_557 : vector<16xf32> to vector<1x1x16xf32>
        tpu.vector_store %arg7[%swap3A_559, %swap3A_560, %swap3A_561], %swap3A_564 {add = true, strides = array<i32>} : memref<2x128x128xf32, #tpu.memory_space<vmem>>, vector<1x1x16xf32>,
        %get3A_565 = arith.constant 0 : i32
        %get3A_566 = arith.index_cast %get3A_565 : i32 to index
        %get3A_567 = arith.index_cast %scan3A_486 : i32 to index
        %get3A_568 = arith.constant 96 : index
        %get3A_569 = tpu.vector_load %arg8[%get3A_566, %get3A_567, %get3A_568] {strides = array<i32>} : memref<2x128x128xf32, #tpu.memory_space<vmem>>, vector<1x1x16xf32>,
        %get3A_570 = vector.shape_cast %get3A_569 : vector<1x1x16xf32> to vector<16xf32>
        %swap3A_571 = arith.constant 0 : i32
        %swap3A_572 = arith.index_cast %swap3A_571 : i32 to index
        %swap3A_573 = arith.index_cast %scan3A_486 : i32 to index
        %swap3A_574 = arith.constant 96 : index
        %swap3A_575 = tpu.vector_load %arg7[%swap3A_572, %swap3A_573, %swap3A_574] {strides = array<i32>} : memref<2x128x128xf32, #tpu.memory_space<vmem>>, vector<1x1x16xf32>,
        %swap3A_576 = vector.shape_cast %swap3A_575 : vector<1x1x16xf32> to vector<16xf32>
        %swap3A_577 = vector.shape_cast %get3A_570 : vector<16xf32> to vector<1x1x16xf32>
        tpu.vector_store %arg7[%swap3A_572, %swap3A_573, %swap3A_574], %swap3A_577 {add = true, strides = array<i32>} : memref<2x128x128xf32, #tpu.memory_space<vmem>>, vector<1x1x16xf32>,
        %get3A_578 = arith.constant 0 : i32
        %get3A_579 = arith.index_cast %get3A_578 : i32 to index
        %get3A_580 = arith.index_cast %scan3A_486 : i32 to index
        %get3A_581 = arith.constant 112 : index
        %get3A_582 = tpu.vector_load %arg8[%get3A_579, %get3A_580, %get3A_581] {strides = array<i32>} : memref<2x128x128xf32, #tpu.memory_space<vmem>>, vector<1x1x16xf32>,
        %get3A_583 = vector.shape_cast %get3A_582 : vector<1x1x16xf32> to vector<16xf32>
        %swap3A_584 = arith.constant 0 : i32
        %swap3A_585 = arith.index_cast %swap3A_584 : i32 to index
        %swap3A_586 = arith.index_cast %scan3A_486 : i32 to index
        %swap3A_587 = arith.constant 112 : index
        %swap3A_588 = tpu.vector_load %arg7[%swap3A_585, %swap3A_586, %swap3A_587] {strides = array<i32>} : memref<2x128x128xf32, #tpu.memory_space<vmem>>, vector<1x1x16xf32>,
        %swap3A_589 = vector.shape_cast %swap3A_588 : vector<1x1x16xf32> to vector<16xf32>
        %swap3A_590 = vector.shape_cast %get3A_583 : vector<16xf32> to vector<1x1x16xf32>
        tpu.vector_store %arg7[%swap3A_585, %swap3A_586, %swap3A_587], %swap3A_590 {add = true, strides = array<i32>} : memref<2x128x128xf32, #tpu.memory_space<vmem>>, vector<1x1x16xf32>,
        %scan3A_591 = arith.constant 3 : i32
        %scan3A_592 = arith.addi %scan3A_276, %scan3A_591 : i32
        %get3A_593 = arith.constant 0 : i32
        %get3A_594 = arith.index_cast %get3A_593 : i32 to index
        %get3A_595 = arith.index_cast %scan3A_592 : i32 to index
        %get3A_596 = arith.constant 0 : index
        %get3A_597 = tpu.vector_load %arg8[%get3A_594, %get3A_595, %get3A_596] {strides = array<i32>} : memref<2x128x128xf32, #tpu.memory_space<vmem>>, vector<1x1x16xf32>,
        %get3A_598 = vector.shape_cast %get3A_597 : vector<1x1x16xf32> to vector<16xf32>
        %swap3A_599 = arith.constant 0 : i32
        %swap3A_600 = arith.index_cast %swap3A_599 : i32 to index
        %swap3A_601 = arith.index_cast %scan3A_592 : i32 to index
        %swap3A_602 = arith.constant 0 : index
        %swap3A_603 = tpu.vector_load %arg7[%swap3A_600, %swap3A_601, %swap3A_602] {strides = array<i32>} : memref<2x128x128xf32, #tpu.memory_space<vmem>>, vector<1x1x16xf32>,
        %swap3A_604 = vector.shape_cast %swap3A_603 : vector<1x1x16xf32> to vector<16xf32>
        %swap3A_605 = vector.shape_cast %get3A_598 : vector<16xf32> to vector<1x1x16xf32>
        tpu.vector_store %arg7[%swap3A_600, %swap3A_601, %swap3A_602], %swap3A_605 {add = true, strides = array<i32>} : memref<2x128x128xf32, #tpu.memory_space<vmem>>, vector<1x1x16xf32>,
        %get3A_606 = arith.constant 0 : i32
        %get3A_607 = arith.index_cast %get3A_606 : i32 to index
        %get3A_608 = arith.index_cast %scan3A_592 : i32 to index
        %get3A_609 = arith.constant 16 : index
        %get3A_610 = tpu.vector_load %arg8[%get3A_607, %get3A_608, %get3A_609] {strides = array<i32>} : memref<2x128x128xf32, #tpu.memory_space<vmem>>, vector<1x1x16xf32>,
        %get3A_611 = vector.shape_cast %get3A_610 : vector<1x1x16xf32> to vector<16xf32>
        %swap3A_612 = arith.constant 0 : i32
        %swap3A_613 = arith.index_cast %swap3A_612 : i32 to index
        %swap3A_614 = arith.index_cast %scan3A_592 : i32 to index
        %swap3A_615 = arith.constant 16 : index
        %swap3A_616 = tpu.vector_load %arg7[%swap3A_613, %swap3A_614, %swap3A_615] {strides = array<i32>} : memref<2x128x128xf32, #tpu.memory_space<vmem>>, vector<1x1x16xf32>,
        %swap3A_617 = vector.shape_cast %swap3A_616 : vector<1x1x16xf32> to vector<16xf32>
        %swap3A_618 = vector.shape_cast %get3A_611 : vector<16xf32> to vector<1x1x16xf32>
        tpu.vector_store %arg7[%swap3A_613, %swap3A_614, %swap3A_615], %swap3A_618 {add = true, strides = array<i32>} : memref<2x128x128xf32, #tpu.memory_space<vmem>>, vector<1x1x16xf32>,
        %get3A_619 = arith.constant 0 : i32
        %get3A_620 = arith.index_cast %get3A_619 : i32 to index
        %get3A_621 = arith.index_cast %scan3A_592 : i32 to index
        %get3A_622 = arith.constant 32 : index
        %get3A_623 = tpu.vector_load %arg8[%get3A_620, %get3A_621, %get3A_622] {strides = array<i32>} : memref<2x128x128xf32, #tpu.memory_space<vmem>>, vector<1x1x16xf32>,
        %get3A_624 = vector.shape_cast %get3A_623 : vector<1x1x16xf32> to vector<16xf32>
        %swap3A_625 = arith.constant 0 : i32
        %swap3A_626 = arith.index_cast %swap3A_625 : i32 to index
        %swap3A_627 = arith.index_cast %scan3A_592 : i32 to index
        %swap3A_628 = arith.constant 32 : index
        %swap3A_629 = tpu.vector_load %arg7[%swap3A_626, %swap3A_627, %swap3A_628] {strides = array<i32>} : memref<2x128x128xf32, #tpu.memory_space<vmem>>, vector<1x1x16xf32>,
        %swap3A_630 = vector.shape_cast %swap3A_629 : vector<1x1x16xf32> to vector<16xf32>
        %swap3A_631 = vector.shape_cast %get3A_624 : vector<16xf32> to vector<1x1x16xf32>
        tpu.vector_store %arg7[%swap3A_626, %swap3A_627, %swap3A_628], %swap3A_631 {add = true, strides = array<i32>} : memref<2x128x128xf32, #tpu.memory_space<vmem>>, vector<1x1x16xf32>,
        %get3A_632 = arith.constant 0 : i32
        %get3A_633 = arith.index_cast %get3A_632 : i32 to index
        %get3A_634 = arith.index_cast %scan3A_592 : i32 to index
        %get3A_635 = arith.constant 48 : index
        %get3A_636 = tpu.vector_load %arg8[%get3A_633, %get3A_634, %get3A_635] {strides = array<i32>} : memref<2x128x128xf32, #tpu.memory_space<vmem>>, vector<1x1x16xf32>,
        %get3A_637 = vector.shape_cast %get3A_636 : vector<1x1x16xf32> to vector<16xf32>
        %swap3A_638 = arith.constant 0 : i32
        %swap3A_639 = arith.index_cast %swap3A_638 : i32 to index
        %swap3A_640 = arith.index_cast %scan3A_592 : i32 to index
        %swap3A_641 = arith.constant 48 : index
        %swap3A_642 = tpu.vector_load %arg7[%swap3A_639, %swap3A_640, %swap3A_641] {strides = array<i32>} : memref<2x128x128xf32, #tpu.memory_space<vmem>>, vector<1x1x16xf32>,
        %swap3A_643 = vector.shape_cast %swap3A_642 : vector<1x1x16xf32> to vector<16xf32>
        %swap3A_644 = vector.shape_cast %get3A_637 : vector<16xf32> to vector<1x1x16xf32>
        tpu.vector_store %arg7[%swap3A_639, %swap3A_640, %swap3A_641], %swap3A_644 {add = true, strides = array<i32>} : memref<2x128x128xf32, #tpu.memory_space<vmem>>, vector<1x1x16xf32>,
        %get3A_645 = arith.constant 0 : i32
        %get3A_646 = arith.index_cast %get3A_645 : i32 to index
        %get3A_647 = arith.index_cast %scan3A_592 : i32 to index
        %get3A_648 = arith.constant 64 : index
        %get3A_649 = tpu.vector_load %arg8[%get3A_646, %get3A_647, %get3A_648] {strides = array<i32>} : memref<2x128x128xf32, #tpu.memory_space<vmem>>, vector<1x1x16xf32>,
        %get3A_650 = vector.shape_cast %get3A_649 : vector<1x1x16xf32> to vector<16xf32>
        %swap3A_651 = arith.constant 0 : i32
        %swap3A_652 = arith.index_cast %swap3A_651 : i32 to index
        %swap3A_653 = arith.index_cast %scan3A_592 : i32 to index
        %swap3A_654 = arith.constant 64 : index
        %swap3A_655 = tpu.vector_load %arg7[%swap3A_652, %swap3A_653, %swap3A_654] {strides = array<i32>} : memref<2x128x128xf32, #tpu.memory_space<vmem>>, vector<1x1x16xf32>,
        %swap3A_656 = vector.shape_cast %swap3A_655 : vector<1x1x16xf32> to vector<16xf32>
        %swap3A_657 = vector.shape_cast %get3A_650 : vector<16xf32> to vector<1x1x16xf32>
        tpu.vector_store %arg7[%swap3A_652, %swap3A_653, %swap3A_654], %swap3A_657 {add = true, strides = array<i32>} : memref<2x128x128xf32, #tpu.memory_space<vmem>>, vector<1x1x16xf32>,
        %get3A_658 = arith.constant 0 : i32
        %get3A_659 = arith.index_cast %get3A_658 : i32 to index
        %get3A_660 = arith.index_cast %scan3A_592 : i32 to index
        %get3A_661 = arith.constant 80 : index
        %get3A_662 = tpu.vector_load %arg8[%get3A_659, %get3A_660, %get3A_661] {strides = array<i32>} : memref<2x128x128xf32, #tpu.memory_space<vmem>>, vector<1x1x16xf32>,
        %get3A_663 = vector.shape_cast %get3A_662 : vector<1x1x16xf32> to vector<16xf32>
        %swap3A_664 = arith.constant 0 : i32
        %swap3A_665 = arith.index_cast %swap3A_664 : i32 to index
        %swap3A_666 = arith.index_cast %scan3A_592 : i32 to index
        %swap3A_667 = arith.constant 80 : index
        %swap3A_668 = tpu.vector_load %arg7[%swap3A_665, %swap3A_666, %swap3A_667] {strides = array<i32>} : memref<2x128x128xf32, #tpu.memory_space<vmem>>, vector<1x1x16xf32>,
        %swap3A_669 = vector.shape_cast %swap3A_668 : vector<1x1x16xf32> to vector<16xf32>
        %swap3A_670 = vector.shape_cast %get3A_663 : vector<16xf32> to vector<1x1x16xf32>
        tpu.vector_store %arg7[%swap3A_665, %swap3A_666, %swap3A_667], %swap3A_670 {add = true, strides = array<i32>} : memref<2x128x128xf32, #tpu.memory_space<vmem>>, vector<1x1x16xf32>,
        %get3A_671 = arith.constant 0 : i32
        %get3A_672 = arith.index_cast %get3A_671 : i32 to index
        %get3A_673 = arith.index_cast %scan3A_592 : i32 to index
        %get3A_674 = arith.constant 96 : index
        %get3A_675 = tpu.vector_load %arg8[%get3A_672, %get3A_673, %get3A_674] {strides = array<i32>} : memref<2x128x128xf32, #tpu.memory_space<vmem>>, vector<1x1x16xf32>,
        %get3A_676 = vector.shape_cast %get3A_675 : vector<1x1x16xf32> to vector<16xf32>
        %swap3A_677 = arith.constant 0 : i32
        %swap3A_678 = arith.index_cast %swap3A_677 : i32 to index
        %swap3A_679 = arith.index_cast %scan3A_592 : i32 to index
        %swap3A_680 = arith.constant 96 : index
        %swap3A_681 = tpu.vector_load %arg7[%swap3A_678, %swap3A_679, %swap3A_680] {strides = array<i32>} : memref<2x128x128xf32, #tpu.memory_space<vmem>>, vector<1x1x16xf32>,
        %swap3A_682 = vector.shape_cast %swap3A_681 : vector<1x1x16xf32> to vector<16xf32>
        %swap3A_683 = vector.shape_cast %get3A_676 : vector<16xf32> to vector<1x1x16xf32>
        tpu.vector_store %arg7[%swap3A_678, %swap3A_679, %swap3A_680], %swap3A_683 {add = true, strides = array<i32>} : memref<2x128x128xf32, #tpu.memory_space<vmem>>, vector<1x1x16xf32>,
        %get3A_684 = arith.constant 0 : i32
        %get3A_685 = arith.index_cast %get3A_684 : i32 to index
        %get3A_686 = arith.index_cast %scan3A_592 : i32 to index
        %get3A_687 = arith.constant 112 : index
        %get3A_688 = tpu.vector_load %arg8[%get3A_685, %get3A_686, %get3A_687] {strides = array<i32>} : memref<2x128x128xf32, #tpu.memory_space<vmem>>, vector<1x1x16xf32>,
        %get3A_689 = vector.shape_cast %get3A_688 : vector<1x1x16xf32> to vector<16xf32>
        %swap3A_690 = arith.constant 0 : i32
        %swap3A_691 = arith.index_cast %swap3A_690 : i32 to index
        %swap3A_692 = arith.index_cast %scan3A_592 : i32 to index
        %swap3A_693 = arith.constant 112 : index
        %swap3A_694 = tpu.vector_load %arg7[%swap3A_691, %swap3A_692, %swap3A_693] {strides = array<i32>} : memref<2x128x128xf32, #tpu.memory_space<vmem>>, vector<1x1x16xf32>,
        %swap3A_695 = vector.shape_cast %swap3A_694 : vector<1x1x16xf32> to vector<16xf32>
        %swap3A_696 = vector.shape_cast %get3A_689 : vector<16xf32> to vector<1x1x16xf32>
        tpu.vector_store %arg7[%swap3A_691, %swap3A_692, %swap3A_693], %swap3A_696 {add = true, strides = array<i32>} : memref<2x128x128xf32, #tpu.memory_space<vmem>>, vector<1x1x16xf32>,
      }
      %scan3A_203 = arith.constant 128 : i32
      %mul3A_204 = arith.constant 128 : i32
      %mul3A_205 = arith.muli %add3A_121, %mul3A_204 : i32
      %dma_start3A_206 = arith.constant 0 : i32
      %dma_start3A_207 = arith.constant 0 : i32
      %dma_start3A_208 = arith.constant 0 : i32
      %dma_start3A_209 = tpu.memref_slice %arg7[%dma_start3A_206, %dma_start3A_207, %dma_start3A_208] : memref<2x128x128xf32, #tpu.memory_space<vmem>> -> memref<1x128x128xf32, #tpu.memory_space<vmem>>
      %dma_start3A_210 = tpu.memref_squeeze %dma_start3A_209 : memref<1x128x128xf32, #tpu.memory_space<vmem>> -> memref<128x128xf32, #tpu.memory_space<vmem>>
      %dma_start3A_211 = arith.constant 0 : i32
      %dma_start3A_212 = tpu.memref_slice %arg5[%mul3A_205, %dma_start3A_211] : memref<819200x128xf32, #tpu.memory_space<hbm>> -> memref<128x128xf32, #tpu.memory_space<hbm>>
      %dma_start3A_213 = arith.constant 0 : i32
      %dma_start3A_214 = tpu.memref_slice %arg5[%mul3A_205, %dma_start3A_213] : memref<819200x128xf32, #tpu.memory_space<hbm>> -> memref<128x128xf32, #tpu.memory_space<hbm>>
      %dma_start3A_215 = arith.constant 0 : i32
      %dma_start3A_216 = arith.constant 0 : i32
      %dma_start3A_217 = tpu.memref_slice %arg7[%dma_start3A_206, %dma_start3A_215, %dma_start3A_216] : memref<2x128x128xf32, #tpu.memory_space<vmem>> -> memref<1x128x128xf32, #tpu.memory_space<vmem>>
      %dma_start3A_218 = tpu.memref_squeeze %dma_start3A_217 : memref<1x128x128xf32, #tpu.memory_space<vmem>> -> memref<128x128xf32, #tpu.memory_space<vmem>>
      tpu.enqueue_dma source(%dma_start3A_218 : memref<128x128xf32, #tpu.memory_space<vmem>>) target(%dma_start3A_214 : memref<128x128xf32, #tpu.memory_space<hbm>>) target_semaphore(%arg15 : memref<!tpu.dma_semaphore, #tpu.memory_space<semaphore_mem>>)
      %mul3A_219 = arith.constant 2 : i32
      %mul3A_220 = arith.muli %mul3A_219, %scan3A_116 : i32
      %add3A_221 = arith.constant 1 : i32
      %add3A_222 = arith.addi %mul3A_220, %add3A_221 : i32
      %add3A_223 = arith.addi %mul3A_2, %add3A_222 : i32
      %dma_wait3A_224 = arith.constant 1 : i32
      %dma_wait3A_225 = arith.constant 0 : i32
      %dma_wait3A_226 = arith.constant 1 : i32
      %dma_wait3A_227 = arith.constant 0 : i32
      %dma_wait3A_228 = arith.constant 0 : i32
      %dma_wait3A_229 = tpu.memref_slice %arg7[%dma_wait3A_226, %dma_wait3A_227, %dma_wait3A_228] : memref<2x128x128xf32, #tpu.memory_space<vmem>> -> memref<1x128x128xf32, #tpu.memory_space<vmem>>
      %dma_wait3A_230 = tpu.memref_squeeze %dma_wait3A_229 : memref<1x128x128xf32, #tpu.memory_space<vmem>> -> memref<128x128xf32, #tpu.memory_space<vmem>>
      %dma_wait3A_231 = arith.constant 0 : i32
      %dma_wait3A_232 = tpu.memref_slice %arg6[%dma_wait3A_224, %dma_wait3A_225, %dma_wait3A_231] : memref<2x2x128xi32, #tpu.memory_space<vmem>> -> memref<1x1x128xi32, #tpu.memory_space<vmem>>
      %dma_wait3A_233 = tpu.memref_squeeze %dma_wait3A_232 : memref<1x1x128xi32, #tpu.memory_space<vmem>> -> memref<128xi32, #tpu.memory_space<vmem>>
      %dma_wait3A_234 = arith.constant 0 : i32
      %dma_wait3A_235 = arith.constant 0 : i32
      %dma_wait3A_236 = tpu.memref_slice %arg3[%dma_wait3A_234, %dma_wait3A_235] : memref<1000000x128xf32, #tpu.memory_space<hbm>> -> memref<1000000x128xf32, #tpu.memory_space<hbm>>
      tpu.wait_indirect_dma semaphore(%arg12 : memref<!tpu.dma_semaphore, #tpu.memory_space<semaphore_mem>>) src(%dma_wait3A_236 : memref<1000000x128xf32, #tpu.memory_space<hbm>>) dst(%dma_wait3A_230 : memref<128x128xf32, #tpu.memory_space<vmem>>)
      %dma_wait3A_237 = arith.constant 1 : i32
      %dma_wait3A_238 = arith.constant 1 : i32
      %dma_wait3A_239 = arith.constant 1 : i32
      %dma_wait3A_240 = arith.constant 0 : i32
      %dma_wait3A_241 = arith.constant 0 : i32
      %dma_wait3A_242 = tpu.memref_slice %arg8[%dma_wait3A_239, %dma_wait3A_240, %dma_wait3A_241] : memref<2x128x128xf32, #tpu.memory_space<vmem>> -> memref<1x128x128xf32, #tpu.memory_space<vmem>>
      %dma_wait3A_243 = tpu.memref_squeeze %dma_wait3A_242 : memref<1x128x128xf32, #tpu.memory_space<vmem>> -> memref<128x128xf32, #tpu.memory_space<vmem>>
      %dma_wait3A_244 = arith.constant 0 : i32
      %dma_wait3A_245 = tpu.memref_slice %arg6[%dma_wait3A_237, %dma_wait3A_238, %dma_wait3A_244] : memref<2x2x128xi32, #tpu.memory_space<vmem>> -> memref<1x1x128xi32, #tpu.memory_space<vmem>>
      %dma_wait3A_246 = tpu.memref_squeeze %dma_wait3A_245 : memref<1x1x128xi32, #tpu.memory_space<vmem>> -> memref<128xi32, #tpu.memory_space<vmem>>
      %dma_wait3A_247 = arith.constant 0 : i32
      %dma_wait3A_248 = arith.constant 0 : i32
      %dma_wait3A_249 = tpu.memref_slice %arg4[%dma_wait3A_247, %dma_wait3A_248] : memref<400x128xf32, #tpu.memory_space<hbm>> -> memref<400x128xf32, #tpu.memory_space<hbm>>
      tpu.wait_indirect_dma semaphore(%arg14 : memref<!tpu.dma_semaphore, #tpu.memory_space<semaphore_mem>>) src(%dma_wait3A_249 : memref<400x128xf32, #tpu.memory_space<hbm>>) dst(%dma_wait3A_243 : memref<128x128xf32, #tpu.memory_space<vmem>>)
      %lt3A_250 = arith.constant 99 : i32
      %lt3A_251 = arith.cmpi slt, %scan3A_116, %lt3A_250 : i32
      %convert_element_type3A_252 = arith.extui %lt3A_251 : i1 to i32
      %cond3A_253 = arith.constant 0 : i32
      %cond3A_254 = arith.cmpi ne, %convert_element_type3A_252, %cond3A_253 : i32
      scf.if %cond3A_254 {
        %dma_wait3A_276 = arith.constant 0 : i32
        %dma_wait3A_277 = arith.constant 0 : i32
        %dma_wait3A_278 = arith.constant 0 : i32
        %dma_wait3A_279 = arith.constant 0 : i32
        %dma_wait3A_280 = tpu.memref_slice %arg6[%dma_wait3A_277, %dma_wait3A_278, %dma_wait3A_279] : memref<2x2x128xi32, #tpu.memory_space<vmem>> -> memref<1x2x128xi32, #tpu.memory_space<vmem>>
        %dma_wait3A_281 = tpu.memref_squeeze %dma_wait3A_280 : memref<1x2x128xi32, #tpu.memory_space<vmem>> -> memref<2x128xi32, #tpu.memory_space<vmem>>
        %dma_wait3A_282 = arith.constant 0 : i32
        %dma_wait3A_283 = arith.constant 0 : i32
        %dma_wait3A_284 = tpu.memref_slice %arg2[%dma_wait3A_276, %dma_wait3A_282, %dma_wait3A_283] : memref<6400x2x128xi32, #tpu.memory_space<hbm>> -> memref<1x2x128xi32, #tpu.memory_space<hbm>>
        %dma_wait3A_285 = tpu.memref_squeeze %dma_wait3A_284 : memref<1x2x128xi32, #tpu.memory_space<hbm>> -> memref<2x128xi32, #tpu.memory_space<hbm>>
        %dma_wait3A_286 = arith.constant 0 : i32
        %dma_wait3A_287 = arith.constant 0 : i32
        %dma_wait3A_288 = tpu.memref_slice %arg6[%dma_wait3A_277, %dma_wait3A_286, %dma_wait3A_287] : memref<2x2x128xi32, #tpu.memory_space<vmem>> -> memref<1x2x128xi32, #tpu.memory_space<vmem>>
        %dma_wait3A_289 = tpu.memref_squeeze %dma_wait3A_288 : memref<1x2x128xi32, #tpu.memory_space<vmem>> -> memref<2x128xi32, #tpu.memory_space<vmem>>
        %dma_wait3A_290 = arith.constant 0 : i32
        %dma_wait3A_291 = arith.constant 0 : i32
        %dma_wait3A_292 = tpu.memref_slice %arg2[%dma_wait3A_276, %dma_wait3A_290, %dma_wait3A_291] : memref<6400x2x128xi32, #tpu.memory_space<hbm>> -> memref<1x2x128xi32, #tpu.memory_space<hbm>>
        %dma_wait3A_293 = tpu.memref_squeeze %dma_wait3A_292 : memref<1x2x128xi32, #tpu.memory_space<hbm>> -> memref<2x128xi32, #tpu.memory_space<hbm>>
        tpu.wait_dma2 semaphore(%arg9 : memref<!tpu.dma_semaphore, #tpu.memory_space<semaphore_mem>>) src(%dma_wait3A_293 : memref<2x128xi32, #tpu.memory_space<hbm>>) dst(%dma_wait3A_289 : memref<2x128xi32, #tpu.memory_space<vmem>>)
        %dma_wait3A_294 = arith.constant 0 : i32
        %dma_wait3A_295 = arith.constant 0 : i32
        %dma_wait3A_296 = arith.constant 0 : i32
        %dma_wait3A_297 = tpu.memref_slice %arg7[%dma_wait3A_294, %dma_wait3A_295, %dma_wait3A_296] : memref<2x128x128xf32, #tpu.memory_space<vmem>> -> memref<1x128x128xf32, #tpu.memory_space<vmem>>
        %dma_wait3A_298 = tpu.memref_squeeze %dma_wait3A_297 : memref<1x128x128xf32, #tpu.memory_space<vmem>> -> memref<128x128xf32, #tpu.memory_space<vmem>>
        %dma_wait3A_299 = arith.constant 0 : i32
        %dma_wait3A_300 = arith.constant 0 : i32
        %dma_wait3A_301 = tpu.memref_slice %arg5[%dma_wait3A_299, %dma_wait3A_300] : memref<819200x128xf32, #tpu.memory_space<hbm>> -> memref<128x128xf32, #tpu.memory_space<hbm>>
        %dma_wait3A_302 = arith.constant 0 : i32
        %dma_wait3A_303 = arith.constant 0 : i32
        %dma_wait3A_304 = tpu.memref_slice %arg5[%dma_wait3A_302, %dma_wait3A_303] : memref<819200x128xf32, #tpu.memory_space<hbm>> -> memref<128x128xf32, #tpu.memory_space<hbm>>
        %dma_wait3A_305 = arith.constant 0 : i32
        %dma_wait3A_306 = arith.constant 0 : i32
        %dma_wait3A_307 = tpu.memref_slice %arg7[%dma_wait3A_294, %dma_wait3A_305, %dma_wait3A_306] : memref<2x128x128xf32, #tpu.memory_space<vmem>> -> memref<1x128x128xf32, #tpu.memory_space<vmem>>
        %dma_wait3A_308 = tpu.memref_squeeze %dma_wait3A_307 : memref<1x128x128xf32, #tpu.memory_space<vmem>> -> memref<128x128xf32, #tpu.memory_space<vmem>>
        tpu.wait_dma2 semaphore(%arg15 : memref<!tpu.dma_semaphore, #tpu.memory_space<semaphore_mem>>) src(%dma_wait3A_308 : memref<128x128xf32, #tpu.memory_space<vmem>>) dst(%dma_wait3A_304 : memref<128x128xf32, #tpu.memory_space<hbm>>)
        %dma_start3A_309 = arith.constant 0 : i32
        %dma_start3A_310 = arith.constant 0 : i32
        %dma_start3A_311 = arith.constant 0 : i32
        %dma_start3A_312 = arith.constant 0 : i32
        %dma_start3A_313 = arith.constant 0 : i32
        %dma_start3A_314 = tpu.memref_slice %arg7[%dma_start3A_311, %dma_start3A_312, %dma_start3A_313] : memref<2x128x128xf32, #tpu.memory_space<vmem>> -> memref<1x128x128xf32, #tpu.memory_space<vmem>>
        %dma_start3A_315 = tpu.memref_squeeze %dma_start3A_314 : memref<1x128x128xf32, #tpu.memory_space<vmem>> -> memref<128x128xf32, #tpu.memory_space<vmem>>
        %dma_start3A_316 = arith.constant 0 : i32
        %dma_start3A_317 = tpu.memref_slice %arg6[%dma_start3A_309, %dma_start3A_310, %dma_start3A_316] : memref<2x2x128xi32, #tpu.memory_space<vmem>> -> memref<1x1x128xi32, #tpu.memory_space<vmem>>
        %dma_start3A_318 = tpu.memref_squeeze %dma_start3A_317 : memref<1x1x128xi32, #tpu.memory_space<vmem>> -> memref<128xi32, #tpu.memory_space<vmem>>
        %dma_start3A_319 = arith.constant 0 : i32
        %dma_start3A_320 = arith.constant 0 : i32
        %dma_start3A_321 = tpu.memref_slice %arg3[%dma_start3A_319, %dma_start3A_320] : memref<1000000x128xf32, #tpu.memory_space<hbm>> -> memref<1000000x128xf32, #tpu.memory_space<hbm>>
        tpu.enqueue_indirect_dma source(%dma_start3A_321 : memref<1000000x128xf32, #tpu.memory_space<hbm>>) target(%dma_start3A_315 : memref<128x128xf32, #tpu.memory_space<vmem>>) offsets(%dma_start3A_318 : memref<128xi32, #tpu.memory_space<vmem>>) semaphore(%arg11 : memref<!tpu.dma_semaphore, #tpu.memory_space<semaphore_mem>>)
        %dma_start3A_322 = arith.constant 0 : i32
        %dma_start3A_323 = arith.constant 1 : i32
        %dma_start3A_324 = arith.constant 0 : i32
        %dma_start3A_325 = arith.constant 0 : i32
        %dma_start3A_326 = arith.constant 0 : i32
        %dma_start3A_327 = tpu.memref_slice %arg8[%dma_start3A_324, %dma_start3A_325, %dma_start3A_326] : memref<2x128x128xf32, #tpu.memory_space<vmem>> -> memref<1x128x128xf32, #tpu.memory_space<vmem>>
        %dma_start3A_328 = tpu.memref_squeeze %dma_start3A_327 : memref<1x128x128xf32, #tpu.memory_space<vmem>> -> memref<128x128xf32, #tpu.memory_space<vmem>>
        %dma_start3A_329 = arith.constant 0 : i32
        %dma_start3A_330 = tpu.memref_slice %arg6[%dma_start3A_322, %dma_start3A_323, %dma_start3A_329] : memref<2x2x128xi32, #tpu.memory_space<vmem>> -> memref<1x1x128xi32, #tpu.memory_space<vmem>>
        %dma_start3A_331 = tpu.memref_squeeze %dma_start3A_330 : memref<1x1x128xi32, #tpu.memory_space<vmem>> -> memref<128xi32, #tpu.memory_space<vmem>>
        %dma_start3A_332 = arith.constant 0 : i32
        %dma_start3A_333 = arith.constant 0 : i32
        %dma_start3A_334 = tpu.memref_slice %arg4[%dma_start3A_332, %dma_start3A_333] : memref<400x128xf32, #tpu.memory_space<hbm>> -> memref<400x128xf32, #tpu.memory_space<hbm>>
        tpu.enqueue_indirect_dma source(%dma_start3A_334 : memref<400x128xf32, #tpu.memory_space<hbm>>) target(%dma_start3A_328 : memref<128x128xf32, #tpu.memory_space<vmem>>) offsets(%dma_start3A_331 : memref<128xi32, #tpu.memory_space<vmem>>) semaphore(%arg13 : memref<!tpu.dma_semaphore, #tpu.memory_space<semaphore_mem>>)
        %add3A_335 = arith.constant 2 : i32
        %add3A_336 = arith.addi %add3A_223, %add3A_335 : i32
        %dma_start3A_337 = arith.constant 1 : i32
        %dma_start3A_338 = arith.constant 0 : i32
        %dma_start3A_339 = arith.constant 0 : i32
        %dma_start3A_340 = tpu.memref_slice %arg6[%dma_start3A_337, %dma_start3A_338, %dma_start3A_339] : memref<2x2x128xi32, #tpu.memory_space<vmem>> -> memref<1x2x128xi32, #tpu.memory_space<vmem>>
        %dma_start3A_341 = tpu.memref_squeeze %dma_start3A_340 : memref<1x2x128xi32, #tpu.memory_space<vmem>> -> memref<2x128xi32, #tpu.memory_space<vmem>>
        %dma_start3A_342 = arith.constant 0 : i32
        %dma_start3A_343 = arith.constant 0 : i32
        %dma_start3A_344 = tpu.memref_slice %arg2[%add3A_336, %dma_start3A_342, %dma_start3A_343] : memref<6400x2x128xi32, #tpu.memory_space<hbm>> -> memref<1x2x128xi32, #tpu.memory_space<hbm>>
        %dma_start3A_345 = tpu.memref_squeeze %dma_start3A_344 : memref<1x2x128xi32, #tpu.memory_space<hbm>> -> memref<2x128xi32, #tpu.memory_space<hbm>>
        %dma_start3A_346 = arith.constant 0 : i32
        %dma_start3A_347 = arith.constant 0 : i32
        %dma_start3A_348 = tpu.memref_slice %arg6[%dma_start3A_337, %dma_start3A_346, %dma_start3A_347] : memref<2x2x128xi32, #tpu.memory_space<vmem>> -> memref<1x2x128xi32, #tpu.memory_space<vmem>>
        %dma_start3A_349 = tpu.memref_squeeze %dma_start3A_348 : memref<1x2x128xi32, #tpu.memory_space<vmem>> -> memref<2x128xi32, #tpu.memory_space<vmem>>
        %dma_start3A_350 = arith.constant 0 : i32
        %dma_start3A_351 = arith.constant 0 : i32
        %dma_start3A_352 = tpu.memref_slice %arg2[%add3A_336, %dma_start3A_350, %dma_start3A_351] : memref<6400x2x128xi32, #tpu.memory_space<hbm>> -> memref<1x2x128xi32, #tpu.memory_space<hbm>>
        %dma_start3A_353 = tpu.memref_squeeze %dma_start3A_352 : memref<1x2x128xi32, #tpu.memory_space<hbm>> -> memref<2x128xi32, #tpu.memory_space<hbm>>
        tpu.enqueue_dma source(%dma_start3A_353 : memref<2x128xi32, #tpu.memory_space<hbm>>) target(%dma_start3A_349 : memref<2x128xi32, #tpu.memory_space<vmem>>) target_semaphore(%arg10 : memref<!tpu.dma_semaphore, #tpu.memory_space<semaphore_mem>>)
      } else {
      }
      %scan3A_255 = arith.constant 0 : i32
      %scan3A_256 = arith.constant 0 : i32
      %scan3A_257 = arith.constant 128 : i32
      %scan3A_258 = arith.addi %scan3A_256, %scan3A_257 : i32
      %scan3A_259 = arith.constant 4 : i32
      scf.for %scan3A_276 = %scan3A_256 to %scan3A_258 step %scan3A_259  : i32 {
        %get3A = arith.constant 1 : i32
        %get3A_277 = arith.index_cast %get3A : i32 to index
        %get3A_278 = arith.index_cast %scan3A_276 : i32 to index
        %get3A_279 = arith.constant 0 : index
        %get3A_280 = tpu.vector_load %arg8[%get3A_277, %get3A_278, %get3A_279] {strides = array<i32>} : memref<2x128x128xf32, #tpu.memory_space<vmem>>, vector<1x1x16xf32>,
        %get3A_281 = vector.shape_cast %get3A_280 : vector<1x1x16xf32> to vector<16xf32>
        %swap3A = arith.constant 1 : i32
        %swap3A_282 = arith.index_cast %swap3A : i32 to index
        %swap3A_283 = arith.index_cast %scan3A_276 : i32 to index
        %swap3A_284 = arith.constant 0 : index
        %swap3A_285 = tpu.vector_load %arg7[%swap3A_282, %swap3A_283, %swap3A_284] {strides = array<i32>} : memref<2x128x128xf32, #tpu.memory_space<vmem>>, vector<1x1x16xf32>,
        %swap3A_286 = vector.shape_cast %swap3A_285 : vector<1x1x16xf32> to vector<16xf32>
        %swap3A_287 = vector.shape_cast %get3A_281 : vector<16xf32> to vector<1x1x16xf32>
        tpu.vector_store %arg7[%swap3A_282, %swap3A_283, %swap3A_284], %swap3A_287 {add = true, strides = array<i32>} : memref<2x128x128xf32, #tpu.memory_space<vmem>>, vector<1x1x16xf32>,
        %get3A_288 = arith.constant 1 : i32
        %get3A_289 = arith.index_cast %get3A_288 : i32 to index
        %get3A_290 = arith.index_cast %scan3A_276 : i32 to index
        %get3A_291 = arith.constant 16 : index
        %get3A_292 = tpu.vector_load %arg8[%get3A_289, %get3A_290, %get3A_291] {strides = array<i32>} : memref<2x128x128xf32, #tpu.memory_space<vmem>>, vector<1x1x16xf32>,
        %get3A_293 = vector.shape_cast %get3A_292 : vector<1x1x16xf32> to vector<16xf32>
        %swap3A_294 = arith.constant 1 : i32
        %swap3A_295 = arith.index_cast %swap3A_294 : i32 to index
        %swap3A_296 = arith.index_cast %scan3A_276 : i32 to index
        %swap3A_297 = arith.constant 16 : index
        %swap3A_298 = tpu.vector_load %arg7[%swap3A_295, %swap3A_296, %swap3A_297] {strides = array<i32>} : memref<2x128x128xf32, #tpu.memory_space<vmem>>, vector<1x1x16xf32>,
        %swap3A_299 = vector.shape_cast %swap3A_298 : vector<1x1x16xf32> to vector<16xf32>
        %swap3A_300 = vector.shape_cast %get3A_293 : vector<16xf32> to vector<1x1x16xf32>
        tpu.vector_store %arg7[%swap3A_295, %swap3A_296, %swap3A_297], %swap3A_300 {add = true, strides = array<i32>} : memref<2x128x128xf32, #tpu.memory_space<vmem>>, vector<1x1x16xf32>,
        %get3A_301 = arith.constant 1 : i32
        %get3A_302 = arith.index_cast %get3A_301 : i32 to index
        %get3A_303 = arith.index_cast %scan3A_276 : i32 to index
        %get3A_304 = arith.constant 32 : index
        %get3A_305 = tpu.vector_load %arg8[%get3A_302, %get3A_303, %get3A_304] {strides = array<i32>} : memref<2x128x128xf32, #tpu.memory_space<vmem>>, vector<1x1x16xf32>,
        %get3A_306 = vector.shape_cast %get3A_305 : vector<1x1x16xf32> to vector<16xf32>
        %swap3A_307 = arith.constant 1 : i32
        %swap3A_308 = arith.index_cast %swap3A_307 : i32 to index
        %swap3A_309 = arith.index_cast %scan3A_276 : i32 to index
        %swap3A_310 = arith.constant 32 : index
        %swap3A_311 = tpu.vector_load %arg7[%swap3A_308, %swap3A_309, %swap3A_310] {strides = array<i32>} : memref<2x128x128xf32, #tpu.memory_space<vmem>>, vector<1x1x16xf32>,
        %swap3A_312 = vector.shape_cast %swap3A_311 : vector<1x1x16xf32> to vector<16xf32>
        %swap3A_313 = vector.shape_cast %get3A_306 : vector<16xf32> to vector<1x1x16xf32>
        tpu.vector_store %arg7[%swap3A_308, %swap3A_309, %swap3A_310], %swap3A_313 {add = true, strides = array<i32>} : memref<2x128x128xf32, #tpu.memory_space<vmem>>, vector<1x1x16xf32>,
        %get3A_314 = arith.constant 1 : i32
        %get3A_315 = arith.index_cast %get3A_314 : i32 to index
        %get3A_316 = arith.index_cast %scan3A_276 : i32 to index
        %get3A_317 = arith.constant 48 : index
        %get3A_318 = tpu.vector_load %arg8[%get3A_315, %get3A_316, %get3A_317] {strides = array<i32>} : memref<2x128x128xf32, #tpu.memory_space<vmem>>, vector<1x1x16xf32>,
        %get3A_319 = vector.shape_cast %get3A_318 : vector<1x1x16xf32> to vector<16xf32>
        %swap3A_320 = arith.constant 1 : i32
        %swap3A_321 = arith.index_cast %swap3A_320 : i32 to index
        %swap3A_322 = arith.index_cast %scan3A_276 : i32 to index
        %swap3A_323 = arith.constant 48 : index
        %swap3A_324 = tpu.vector_load %arg7[%swap3A_321, %swap3A_322, %swap3A_323] {strides = array<i32>} : memref<2x128x128xf32, #tpu.memory_space<vmem>>, vector<1x1x16xf32>,
        %swap3A_325 = vector.shape_cast %swap3A_324 : vector<1x1x16xf32> to vector<16xf32>
        %swap3A_326 = vector.shape_cast %get3A_319 : vector<16xf32> to vector<1x1x16xf32>
        tpu.vector_store %arg7[%swap3A_321, %swap3A_322, %swap3A_323], %swap3A_326 {add = true, strides = array<i32>} : memref<2x128x128xf32, #tpu.memory_space<vmem>>, vector<1x1x16xf32>,
        %get3A_327 = arith.constant 1 : i32
        %get3A_328 = arith.index_cast %get3A_327 : i32 to index
        %get3A_329 = arith.index_cast %scan3A_276 : i32 to index
        %get3A_330 = arith.constant 64 : index
        %get3A_331 = tpu.vector_load %arg8[%get3A_328, %get3A_329, %get3A_330] {strides = array<i32>} : memref<2x128x128xf32, #tpu.memory_space<vmem>>, vector<1x1x16xf32>,
        %get3A_332 = vector.shape_cast %get3A_331 : vector<1x1x16xf32> to vector<16xf32>
        %swap3A_333 = arith.constant 1 : i32
        %swap3A_334 = arith.index_cast %swap3A_333 : i32 to index
        %swap3A_335 = arith.index_cast %scan3A_276 : i32 to index
        %swap3A_336 = arith.constant 64 : index
        %swap3A_337 = tpu.vector_load %arg7[%swap3A_334, %swap3A_335, %swap3A_336] {strides = array<i32>} : memref<2x128x128xf32, #tpu.memory_space<vmem>>, vector<1x1x16xf32>,
        %swap3A_338 = vector.shape_cast %swap3A_337 : vector<1x1x16xf32> to vector<16xf32>
        %swap3A_339 = vector.shape_cast %get3A_332 : vector<16xf32> to vector<1x1x16xf32>
        tpu.vector_store %arg7[%swap3A_334, %swap3A_335, %swap3A_336], %swap3A_339 {add = true, strides = array<i32>} : memref<2x128x128xf32, #tpu.memory_space<vmem>>, vector<1x1x16xf32>,
        %get3A_340 = arith.constant 1 : i32
        %get3A_341 = arith.index_cast %get3A_340 : i32 to index
        %get3A_342 = arith.index_cast %scan3A_276 : i32 to index
        %get3A_343 = arith.constant 80 : index
        %get3A_344 = tpu.vector_load %arg8[%get3A_341, %get3A_342, %get3A_343] {strides = array<i32>} : memref<2x128x128xf32, #tpu.memory_space<vmem>>, vector<1x1x16xf32>,
        %get3A_345 = vector.shape_cast %get3A_344 : vector<1x1x16xf32> to vector<16xf32>
        %swap3A_346 = arith.constant 1 : i32
        %swap3A_347 = arith.index_cast %swap3A_346 : i32 to index
        %swap3A_348 = arith.index_cast %scan3A_276 : i32 to index
        %swap3A_349 = arith.constant 80 : index
        %swap3A_350 = tpu.vector_load %arg7[%swap3A_347, %swap3A_348, %swap3A_349] {strides = array<i32>} : memref<2x128x128xf32, #tpu.memory_space<vmem>>, vector<1x1x16xf32>,
        %swap3A_351 = vector.shape_cast %swap3A_350 : vector<1x1x16xf32> to vector<16xf32>
        %swap3A_352 = vector.shape_cast %get3A_345 : vector<16xf32> to vector<1x1x16xf32>
        tpu.vector_store %arg7[%swap3A_347, %swap3A_348, %swap3A_349], %swap3A_352 {add = true, strides = array<i32>} : memref<2x128x128xf32, #tpu.memory_space<vmem>>, vector<1x1x16xf32>,
        %get3A_353 = arith.constant 1 : i32
        %get3A_354 = arith.index_cast %get3A_353 : i32 to index
        %get3A_355 = arith.index_cast %scan3A_276 : i32 to index
        %get3A_356 = arith.constant 96 : index
        %get3A_357 = tpu.vector_load %arg8[%get3A_354, %get3A_355, %get3A_356] {strides = array<i32>} : memref<2x128x128xf32, #tpu.memory_space<vmem>>, vector<1x1x16xf32>,
        %get3A_358 = vector.shape_cast %get3A_357 : vector<1x1x16xf32> to vector<16xf32>
        %swap3A_359 = arith.constant 1 : i32
        %swap3A_360 = arith.index_cast %swap3A_359 : i32 to index
        %swap3A_361 = arith.index_cast %scan3A_276 : i32 to index
        %swap3A_362 = arith.constant 96 : index
        %swap3A_363 = tpu.vector_load %arg7[%swap3A_360, %swap3A_361, %swap3A_362] {strides = array<i32>} : memref<2x128x128xf32, #tpu.memory_space<vmem>>, vector<1x1x16xf32>,
        %swap3A_364 = vector.shape_cast %swap3A_363 : vector<1x1x16xf32> to vector<16xf32>
        %swap3A_365 = vector.shape_cast %get3A_358 : vector<16xf32> to vector<1x1x16xf32>
        tpu.vector_store %arg7[%swap3A_360, %swap3A_361, %swap3A_362], %swap3A_365 {add = true, strides = array<i32>} : memref<2x128x128xf32, #tpu.memory_space<vmem>>, vector<1x1x16xf32>,
        %get3A_366 = arith.constant 1 : i32
        %get3A_367 = arith.index_cast %get3A_366 : i32 to index
        %get3A_368 = arith.index_cast %scan3A_276 : i32 to index
        %get3A_369 = arith.constant 112 : index
        %get3A_370 = tpu.vector_load %arg8[%get3A_367, %get3A_368, %get3A_369] {strides = array<i32>} : memref<2x128x128xf32, #tpu.memory_space<vmem>>, vector<1x1x16xf32>,
        %get3A_371 = vector.shape_cast %get3A_370 : vector<1x1x16xf32> to vector<16xf32>
        %swap3A_372 = arith.constant 1 : i32
        %swap3A_373 = arith.index_cast %swap3A_372 : i32 to index
        %swap3A_374 = arith.index_cast %scan3A_276 : i32 to index
        %swap3A_375 = arith.constant 112 : index
        %swap3A_376 = tpu.vector_load %arg7[%swap3A_373, %swap3A_374, %swap3A_375] {strides = array<i32>} : memref<2x128x128xf32, #tpu.memory_space<vmem>>, vector<1x1x16xf32>,
        %swap3A_377 = vector.shape_cast %swap3A_376 : vector<1x1x16xf32> to vector<16xf32>
        %swap3A_378 = vector.shape_cast %get3A_371 : vector<16xf32> to vector<1x1x16xf32>
        tpu.vector_store %arg7[%swap3A_373, %swap3A_374, %swap3A_375], %swap3A_378 {add = true, strides = array<i32>} : memref<2x128x128xf32, #tpu.memory_space<vmem>>, vector<1x1x16xf32>,
        %scan3A_379 = arith.constant 1 : i32
        %scan3A_380 = arith.addi %scan3A_276, %scan3A_379 : i32
        %get3A_381 = arith.constant 1 : i32
        %get3A_382 = arith.index_cast %get3A_381 : i32 to index
        %get3A_383 = arith.index_cast %scan3A_380 : i32 to index
        %get3A_384 = arith.constant 0 : index
        %get3A_385 = tpu.vector_load %arg8[%get3A_382, %get3A_383, %get3A_384] {strides = array<i32>} : memref<2x128x128xf32, #tpu.memory_space<vmem>>, vector<1x1x16xf32>,
        %get3A_386 = vector.shape_cast %get3A_385 : vector<1x1x16xf32> to vector<16xf32>
        %swap3A_387 = arith.constant 1 : i32
        %swap3A_388 = arith.index_cast %swap3A_387 : i32 to index
        %swap3A_389 = arith.index_cast %scan3A_380 : i32 to index
        %swap3A_390 = arith.constant 0 : index
        %swap3A_391 = tpu.vector_load %arg7[%swap3A_388, %swap3A_389, %swap3A_390] {strides = array<i32>} : memref<2x128x128xf32, #tpu.memory_space<vmem>>, vector<1x1x16xf32>,
        %swap3A_392 = vector.shape_cast %swap3A_391 : vector<1x1x16xf32> to vector<16xf32>
        %swap3A_393 = vector.shape_cast %get3A_386 : vector<16xf32> to vector<1x1x16xf32>
        tpu.vector_store %arg7[%swap3A_388, %swap3A_389, %swap3A_390], %swap3A_393 {add = true, strides = array<i32>} : memref<2x128x128xf32, #tpu.memory_space<vmem>>, vector<1x1x16xf32>,
        %get3A_394 = arith.constant 1 : i32
        %get3A_395 = arith.index_cast %get3A_394 : i32 to index
        %get3A_396 = arith.index_cast %scan3A_380 : i32 to index
        %get3A_397 = arith.constant 16 : index
        %get3A_398 = tpu.vector_load %arg8[%get3A_395, %get3A_396, %get3A_397] {strides = array<i32>} : memref<2x128x128xf32, #tpu.memory_space<vmem>>, vector<1x1x16xf32>,
        %get3A_399 = vector.shape_cast %get3A_398 : vector<1x1x16xf32> to vector<16xf32>
        %swap3A_400 = arith.constant 1 : i32
        %swap3A_401 = arith.index_cast %swap3A_400 : i32 to index
        %swap3A_402 = arith.index_cast %scan3A_380 : i32 to index
        %swap3A_403 = arith.constant 16 : index
        %swap3A_404 = tpu.vector_load %arg7[%swap3A_401, %swap3A_402, %swap3A_403] {strides = array<i32>} : memref<2x128x128xf32, #tpu.memory_space<vmem>>, vector<1x1x16xf32>,
        %swap3A_405 = vector.shape_cast %swap3A_404 : vector<1x1x16xf32> to vector<16xf32>
        %swap3A_406 = vector.shape_cast %get3A_399 : vector<16xf32> to vector<1x1x16xf32>
        tpu.vector_store %arg7[%swap3A_401, %swap3A_402, %swap3A_403], %swap3A_406 {add = true, strides = array<i32>} : memref<2x128x128xf32, #tpu.memory_space<vmem>>, vector<1x1x16xf32>,
        %get3A_407 = arith.constant 1 : i32
        %get3A_408 = arith.index_cast %get3A_407 : i32 to index
        %get3A_409 = arith.index_cast %scan3A_380 : i32 to index
        %get3A_410 = arith.constant 32 : index
        %get3A_411 = tpu.vector_load %arg8[%get3A_408, %get3A_409, %get3A_410] {strides = array<i32>} : memref<2x128x128xf32, #tpu.memory_space<vmem>>, vector<1x1x16xf32>,
        %get3A_412 = vector.shape_cast %get3A_411 : vector<1x1x16xf32> to vector<16xf32>
        %swap3A_413 = arith.constant 1 : i32
        %swap3A_414 = arith.index_cast %swap3A_413 : i32 to index
        %swap3A_415 = arith.index_cast %scan3A_380 : i32 to index
        %swap3A_416 = arith.constant 32 : index
        %swap3A_417 = tpu.vector_load %arg7[%swap3A_414, %swap3A_415, %swap3A_416] {strides = array<i32>} : memref<2x128x128xf32, #tpu.memory_space<vmem>>, vector<1x1x16xf32>,
        %swap3A_418 = vector.shape_cast %swap3A_417 : vector<1x1x16xf32> to vector<16xf32>
        %swap3A_419 = vector.shape_cast %get3A_412 : vector<16xf32> to vector<1x1x16xf32>
        tpu.vector_store %arg7[%swap3A_414, %swap3A_415, %swap3A_416], %swap3A_419 {add = true, strides = array<i32>} : memref<2x128x128xf32, #tpu.memory_space<vmem>>, vector<1x1x16xf32>,
        %get3A_420 = arith.constant 1 : i32
        %get3A_421 = arith.index_cast %get3A_420 : i32 to index
        %get3A_422 = arith.index_cast %scan3A_380 : i32 to index
        %get3A_423 = arith.constant 48 : index
        %get3A_424 = tpu.vector_load %arg8[%get3A_421, %get3A_422, %get3A_423] {strides = array<i32>} : memref<2x128x128xf32, #tpu.memory_space<vmem>>, vector<1x1x16xf32>,
        %get3A_425 = vector.shape_cast %get3A_424 : vector<1x1x16xf32> to vector<16xf32>
        %swap3A_426 = arith.constant 1 : i32
        %swap3A_427 = arith.index_cast %swap3A_426 : i32 to index
        %swap3A_428 = arith.index_cast %scan3A_380 : i32 to index
        %swap3A_429 = arith.constant 48 : index
        %swap3A_430 = tpu.vector_load %arg7[%swap3A_427, %swap3A_428, %swap3A_429] {strides = array<i32>} : memref<2x128x128xf32, #tpu.memory_space<vmem>>, vector<1x1x16xf32>,
        %swap3A_431 = vector.shape_cast %swap3A_430 : vector<1x1x16xf32> to vector<16xf32>
        %swap3A_432 = vector.shape_cast %get3A_425 : vector<16xf32> to vector<1x1x16xf32>
        tpu.vector_store %arg7[%swap3A_427, %swap3A_428, %swap3A_429], %swap3A_432 {add = true, strides = array<i32>} : memref<2x128x128xf32, #tpu.memory_space<vmem>>, vector<1x1x16xf32>,
        %get3A_433 = arith.constant 1 : i32
        %get3A_434 = arith.index_cast %get3A_433 : i32 to index
        %get3A_435 = arith.index_cast %scan3A_380 : i32 to index
        %get3A_436 = arith.constant 64 : index
        %get3A_437 = tpu.vector_load %arg8[%get3A_434, %get3A_435, %get3A_436] {strides = array<i32>} : memref<2x128x128xf32, #tpu.memory_space<vmem>>, vector<1x1x16xf32>,
        %get3A_438 = vector.shape_cast %get3A_437 : vector<1x1x16xf32> to vector<16xf32>
        %swap3A_439 = arith.constant 1 : i32
        %swap3A_440 = arith.index_cast %swap3A_439 : i32 to index
        %swap3A_441 = arith.index_cast %scan3A_380 : i32 to index
        %swap3A_442 = arith.constant 64 : index
        %swap3A_443 = tpu.vector_load %arg7[%swap3A_440, %swap3A_441, %swap3A_442] {strides = array<i32>} : memref<2x128x128xf32, #tpu.memory_space<vmem>>, vector<1x1x16xf32>,
        %swap3A_444 = vector.shape_cast %swap3A_443 : vector<1x1x16xf32> to vector<16xf32>
        %swap3A_445 = vector.shape_cast %get3A_438 : vector<16xf32> to vector<1x1x16xf32>
        tpu.vector_store %arg7[%swap3A_440, %swap3A_441, %swap3A_442], %swap3A_445 {add = true, strides = array<i32>} : memref<2x128x128xf32, #tpu.memory_space<vmem>>, vector<1x1x16xf32>,
        %get3A_446 = arith.constant 1 : i32
        %get3A_447 = arith.index_cast %get3A_446 : i32 to index
        %get3A_448 = arith.index_cast %scan3A_380 : i32 to index
        %get3A_449 = arith.constant 80 : index
        %get3A_450 = tpu.vector_load %arg8[%get3A_447, %get3A_448, %get3A_449] {strides = array<i32>} : memref<2x128x128xf32, #tpu.memory_space<vmem>>, vector<1x1x16xf32>,
        %get3A_451 = vector.shape_cast %get3A_450 : vector<1x1x16xf32> to vector<16xf32>
        %swap3A_452 = arith.constant 1 : i32
        %swap3A_453 = arith.index_cast %swap3A_452 : i32 to index
        %swap3A_454 = arith.index_cast %scan3A_380 : i32 to index
        %swap3A_455 = arith.constant 80 : index
        %swap3A_456 = tpu.vector_load %arg7[%swap3A_453, %swap3A_454, %swap3A_455] {strides = array<i32>} : memref<2x128x128xf32, #tpu.memory_space<vmem>>, vector<1x1x16xf32>,
        %swap3A_457 = vector.shape_cast %swap3A_456 : vector<1x1x16xf32> to vector<16xf32>
        %swap3A_458 = vector.shape_cast %get3A_451 : vector<16xf32> to vector<1x1x16xf32>
        tpu.vector_store %arg7[%swap3A_453, %swap3A_454, %swap3A_455], %swap3A_458 {add = true, strides = array<i32>} : memref<2x128x128xf32, #tpu.memory_space<vmem>>, vector<1x1x16xf32>,
        %get3A_459 = arith.constant 1 : i32
        %get3A_460 = arith.index_cast %get3A_459 : i32 to index
        %get3A_461 = arith.index_cast %scan3A_380 : i32 to index
        %get3A_462 = arith.constant 96 : index
        %get3A_463 = tpu.vector_load %arg8[%get3A_460, %get3A_461, %get3A_462] {strides = array<i32>} : memref<2x128x128xf32, #tpu.memory_space<vmem>>, vector<1x1x16xf32>,
        %get3A_464 = vector.shape_cast %get3A_463 : vector<1x1x16xf32> to vector<16xf32>
        %swap3A_465 = arith.constant 1 : i32
        %swap3A_466 = arith.index_cast %swap3A_465 : i32 to index
        %swap3A_467 = arith.index_cast %scan3A_380 : i32 to index
        %swap3A_468 = arith.constant 96 : index
        %swap3A_469 = tpu.vector_load %arg7[%swap3A_466, %swap3A_467, %swap3A_468] {strides = array<i32>} : memref<2x128x128xf32, #tpu.memory_space<vmem>>, vector<1x1x16xf32>,
        %swap3A_470 = vector.shape_cast %swap3A_469 : vector<1x1x16xf32> to vector<16xf32>
        %swap3A_471 = vector.shape_cast %get3A_464 : vector<16xf32> to vector<1x1x16xf32>
        tpu.vector_store %arg7[%swap3A_466, %swap3A_467, %swap3A_468], %swap3A_471 {add = true, strides = array<i32>} : memref<2x128x128xf32, #tpu.memory_space<vmem>>, vector<1x1x16xf32>,
        %get3A_472 = arith.constant 1 : i32
        %get3A_473 = arith.index_cast %get3A_472 : i32 to index
        %get3A_474 = arith.index_cast %scan3A_380 : i32 to index
        %get3A_475 = arith.constant 112 : index
        %get3A_476 = tpu.vector_load %arg8[%get3A_473, %get3A_474, %get3A_475] {strides = array<i32>} : memref<2x128x128xf32, #tpu.memory_space<vmem>>, vector<1x1x16xf32>,
        %get3A_477 = vector.shape_cast %get3A_476 : vector<1x1x16xf32> to vector<16xf32>
        %swap3A_478 = arith.constant 1 : i32
        %swap3A_479 = arith.index_cast %swap3A_478 : i32 to index
        %swap3A_480 = arith.index_cast %scan3A_380 : i32 to index
        %swap3A_481 = arith.constant 112 : index
        %swap3A_482 = tpu.vector_load %arg7[%swap3A_479, %swap3A_480, %swap3A_481] {strides = array<i32>} : memref<2x128x128xf32, #tpu.memory_space<vmem>>, vector<1x1x16xf32>,
        %swap3A_483 = vector.shape_cast %swap3A_482 : vector<1x1x16xf32> to vector<16xf32>
        %swap3A_484 = vector.shape_cast %get3A_477 : vector<16xf32> to vector<1x1x16xf32>
        tpu.vector_store %arg7[%swap3A_479, %swap3A_480, %swap3A_481], %swap3A_484 {add = true, strides = array<i32>} : memref<2x128x128xf32, #tpu.memory_space<vmem>>, vector<1x1x16xf32>,
        %scan3A_485 = arith.constant 2 : i32
        %scan3A_486 = arith.addi %scan3A_276, %scan3A_485 : i32
        %get3A_487 = arith.constant 1 : i32
        %get3A_488 = arith.index_cast %get3A_487 : i32 to index
        %get3A_489 = arith.index_cast %scan3A_486 : i32 to index
        %get3A_490 = arith.constant 0 : index
        %get3A_491 = tpu.vector_load %arg8[%get3A_488, %get3A_489, %get3A_490] {strides = array<i32>} : memref<2x128x128xf32, #tpu.memory_space<vmem>>, vector<1x1x16xf32>,
        %get3A_492 = vector.shape_cast %get3A_491 : vector<1x1x16xf32> to vector<16xf32>
        %swap3A_493 = arith.constant 1 : i32
        %swap3A_494 = arith.index_cast %swap3A_493 : i32 to index
        %swap3A_495 = arith.index_cast %scan3A_486 : i32 to index
        %swap3A_496 = arith.constant 0 : index
        %swap3A_497 = tpu.vector_load %arg7[%swap3A_494, %swap3A_495, %swap3A_496] {strides = array<i32>} : memref<2x128x128xf32, #tpu.memory_space<vmem>>, vector<1x1x16xf32>,
        %swap3A_498 = vector.shape_cast %swap3A_497 : vector<1x1x16xf32> to vector<16xf32>
        %swap3A_499 = vector.shape_cast %get3A_492 : vector<16xf32> to vector<1x1x16xf32>
        tpu.vector_store %arg7[%swap3A_494, %swap3A_495, %swap3A_496], %swap3A_499 {add = true, strides = array<i32>} : memref<2x128x128xf32, #tpu.memory_space<vmem>>, vector<1x1x16xf32>,
        %get3A_500 = arith.constant 1 : i32
        %get3A_501 = arith.index_cast %get3A_500 : i32 to index
        %get3A_502 = arith.index_cast %scan3A_486 : i32 to index
        %get3A_503 = arith.constant 16 : index
        %get3A_504 = tpu.vector_load %arg8[%get3A_501, %get3A_502, %get3A_503] {strides = array<i32>} : memref<2x128x128xf32, #tpu.memory_space<vmem>>, vector<1x1x16xf32>,
        %get3A_505 = vector.shape_cast %get3A_504 : vector<1x1x16xf32> to vector<16xf32>
        %swap3A_506 = arith.constant 1 : i32
        %swap3A_507 = arith.index_cast %swap3A_506 : i32 to index
        %swap3A_508 = arith.index_cast %scan3A_486 : i32 to index
        %swap3A_509 = arith.constant 16 : index
        %swap3A_510 = tpu.vector_load %arg7[%swap3A_507, %swap3A_508, %swap3A_509] {strides = array<i32>} : memref<2x128x128xf32, #tpu.memory_space<vmem>>, vector<1x1x16xf32>,
        %swap3A_511 = vector.shape_cast %swap3A_510 : vector<1x1x16xf32> to vector<16xf32>
        %swap3A_512 = vector.shape_cast %get3A_505 : vector<16xf32> to vector<1x1x16xf32>
        tpu.vector_store %arg7[%swap3A_507, %swap3A_508, %swap3A_509], %swap3A_512 {add = true, strides = array<i32>} : memref<2x128x128xf32, #tpu.memory_space<vmem>>, vector<1x1x16xf32>,
        %get3A_513 = arith.constant 1 : i32
        %get3A_514 = arith.index_cast %get3A_513 : i32 to index
        %get3A_515 = arith.index_cast %scan3A_486 : i32 to index
        %get3A_516 = arith.constant 32 : index
        %get3A_517 = tpu.vector_load %arg8[%get3A_514, %get3A_515, %get3A_516] {strides = array<i32>} : memref<2x128x128xf32, #tpu.memory_space<vmem>>, vector<1x1x16xf32>,
        %get3A_518 = vector.shape_cast %get3A_517 : vector<1x1x16xf32> to vector<16xf32>
        %swap3A_519 = arith.constant 1 : i32
        %swap3A_520 = arith.index_cast %swap3A_519 : i32 to index
        %swap3A_521 = arith.index_cast %scan3A_486 : i32 to index
        %swap3A_522 = arith.constant 32 : index
        %swap3A_523 = tpu.vector_load %arg7[%swap3A_520, %swap3A_521, %swap3A_522] {strides = array<i32>} : memref<2x128x128xf32, #tpu.memory_space<vmem>>, vector<1x1x16xf32>,
        %swap3A_524 = vector.shape_cast %swap3A_523 : vector<1x1x16xf32> to vector<16xf32>
        %swap3A_525 = vector.shape_cast %get3A_518 : vector<16xf32> to vector<1x1x16xf32>
        tpu.vector_store %arg7[%swap3A_520, %swap3A_521, %swap3A_522], %swap3A_525 {add = true, strides = array<i32>} : memref<2x128x128xf32, #tpu.memory_space<vmem>>, vector<1x1x16xf32>,
        %get3A_526 = arith.constant 1 : i32
        %get3A_527 = arith.index_cast %get3A_526 : i32 to index
        %get3A_528 = arith.index_cast %scan3A_486 : i32 to index
        %get3A_529 = arith.constant 48 : index
        %get3A_530 = tpu.vector_load %arg8[%get3A_527, %get3A_528, %get3A_529] {strides = array<i32>} : memref<2x128x128xf32, #tpu.memory_space<vmem>>, vector<1x1x16xf32>,
        %get3A_531 = vector.shape_cast %get3A_530 : vector<1x1x16xf32> to vector<16xf32>
        %swap3A_532 = arith.constant 1 : i32
        %swap3A_533 = arith.index_cast %swap3A_532 : i32 to index
        %swap3A_534 = arith.index_cast %scan3A_486 : i32 to index
        %swap3A_535 = arith.constant 48 : index
        %swap3A_536 = tpu.vector_load %arg7[%swap3A_533, %swap3A_534, %swap3A_535] {strides = array<i32>} : memref<2x128x128xf32, #tpu.memory_space<vmem>>, vector<1x1x16xf32>,
        %swap3A_537 = vector.shape_cast %swap3A_536 : vector<1x1x16xf32> to vector<16xf32>
        %swap3A_538 = vector.shape_cast %get3A_531 : vector<16xf32> to vector<1x1x16xf32>
        tpu.vector_store %arg7[%swap3A_533, %swap3A_534, %swap3A_535], %swap3A_538 {add = true, strides = array<i32>} : memref<2x128x128xf32, #tpu.memory_space<vmem>>, vector<1x1x16xf32>,
        %get3A_539 = arith.constant 1 : i32
        %get3A_540 = arith.index_cast %get3A_539 : i32 to index
        %get3A_541 = arith.index_cast %scan3A_486 : i32 to index
        %get3A_542 = arith.constant 64 : index
        %get3A_543 = tpu.vector_load %arg8[%get3A_540, %get3A_541, %get3A_542] {strides = array<i32>} : memref<2x128x128xf32, #tpu.memory_space<vmem>>, vector<1x1x16xf32>,
        %get3A_544 = vector.shape_cast %get3A_543 : vector<1x1x16xf32> to vector<16xf32>
        %swap3A_545 = arith.constant 1 : i32
        %swap3A_546 = arith.index_cast %swap3A_545 : i32 to index
        %swap3A_547 = arith.index_cast %scan3A_486 : i32 to index
        %swap3A_548 = arith.constant 64 : index
        %swap3A_549 = tpu.vector_load %arg7[%swap3A_546, %swap3A_547, %swap3A_548] {strides = array<i32>} : memref<2x128x128xf32, #tpu.memory_space<vmem>>, vector<1x1x16xf32>,
        %swap3A_550 = vector.shape_cast %swap3A_549 : vector<1x1x16xf32> to vector<16xf32>
        %swap3A_551 = vector.shape_cast %get3A_544 : vector<16xf32> to vector<1x1x16xf32>
        tpu.vector_store %arg7[%swap3A_546, %swap3A_547, %swap3A_548], %swap3A_551 {add = true, strides = array<i32>} : memref<2x128x128xf32, #tpu.memory_space<vmem>>, vector<1x1x16xf32>,
        %get3A_552 = arith.constant 1 : i32
        %get3A_553 = arith.index_cast %get3A_552 : i32 to index
        %get3A_554 = arith.index_cast %scan3A_486 : i32 to index
        %get3A_555 = arith.constant 80 : index
        %get3A_556 = tpu.vector_load %arg8[%get3A_553, %get3A_554, %get3A_555] {strides = array<i32>} : memref<2x128x128xf32, #tpu.memory_space<vmem>>, vector<1x1x16xf32>,
        %get3A_557 = vector.shape_cast %get3A_556 : vector<1x1x16xf32> to vector<16xf32>
        %swap3A_558 = arith.constant 1 : i32
        %swap3A_559 = arith.index_cast %swap3A_558 : i32 to index
        %swap3A_560 = arith.index_cast %scan3A_486 : i32 to index
        %swap3A_561 = arith.constant 80 : index
        %swap3A_562 = tpu.vector_load %arg7[%swap3A_559, %swap3A_560, %swap3A_561] {strides = array<i32>} : memref<2x128x128xf32, #tpu.memory_space<vmem>>, vector<1x1x16xf32>,
        %swap3A_563 = vector.shape_cast %swap3A_562 : vector<1x1x16xf32> to vector<16xf32>
        %swap3A_564 = vector.shape_cast %get3A_557 : vector<16xf32> to vector<1x1x16xf32>
        tpu.vector_store %arg7[%swap3A_559, %swap3A_560, %swap3A_561], %swap3A_564 {add = true, strides = array<i32>} : memref<2x128x128xf32, #tpu.memory_space<vmem>>, vector<1x1x16xf32>,
        %get3A_565 = arith.constant 1 : i32
        %get3A_566 = arith.index_cast %get3A_565 : i32 to index
        %get3A_567 = arith.index_cast %scan3A_486 : i32 to index
        %get3A_568 = arith.constant 96 : index
        %get3A_569 = tpu.vector_load %arg8[%get3A_566, %get3A_567, %get3A_568] {strides = array<i32>} : memref<2x128x128xf32, #tpu.memory_space<vmem>>, vector<1x1x16xf32>,
        %get3A_570 = vector.shape_cast %get3A_569 : vector<1x1x16xf32> to vector<16xf32>
        %swap3A_571 = arith.constant 1 : i32
        %swap3A_572 = arith.index_cast %swap3A_571 : i32 to index
        %swap3A_573 = arith.index_cast %scan3A_486 : i32 to index
        %swap3A_574 = arith.constant 96 : index
        %swap3A_575 = tpu.vector_load %arg7[%swap3A_572, %swap3A_573, %swap3A_574] {strides = array<i32>} : memref<2x128x128xf32, #tpu.memory_space<vmem>>, vector<1x1x16xf32>,
        %swap3A_576 = vector.shape_cast %swap3A_575 : vector<1x1x16xf32> to vector<16xf32>
        %swap3A_577 = vector.shape_cast %get3A_570 : vector<16xf32> to vector<1x1x16xf32>
        tpu.vector_store %arg7[%swap3A_572, %swap3A_573, %swap3A_574], %swap3A_577 {add = true, strides = array<i32>} : memref<2x128x128xf32, #tpu.memory_space<vmem>>, vector<1x1x16xf32>,
        %get3A_578 = arith.constant 1 : i32
        %get3A_579 = arith.index_cast %get3A_578 : i32 to index
        %get3A_580 = arith.index_cast %scan3A_486 : i32 to index
        %get3A_581 = arith.constant 112 : index
        %get3A_582 = tpu.vector_load %arg8[%get3A_579, %get3A_580, %get3A_581] {strides = array<i32>} : memref<2x128x128xf32, #tpu.memory_space<vmem>>, vector<1x1x16xf32>,
        %get3A_583 = vector.shape_cast %get3A_582 : vector<1x1x16xf32> to vector<16xf32>
        %swap3A_584 = arith.constant 1 : i32
        %swap3A_585 = arith.index_cast %swap3A_584 : i32 to index
        %swap3A_586 = arith.index_cast %scan3A_486 : i32 to index
        %swap3A_587 = arith.constant 112 : index
        %swap3A_588 = tpu.vector_load %arg7[%swap3A_585, %swap3A_586, %swap3A_587] {strides = array<i32>} : memref<2x128x128xf32, #tpu.memory_space<vmem>>, vector<1x1x16xf32>,
        %swap3A_589 = vector.shape_cast %swap3A_588 : vector<1x1x16xf32> to vector<16xf32>
        %swap3A_590 = vector.shape_cast %get3A_583 : vector<16xf32> to vector<1x1x16xf32>
        tpu.vector_store %arg7[%swap3A_585, %swap3A_586, %swap3A_587], %swap3A_590 {add = true, strides = array<i32>} : memref<2x128x128xf32, #tpu.memory_space<vmem>>, vector<1x1x16xf32>,
        %scan3A_591 = arith.constant 3 : i32
        %scan3A_592 = arith.addi %scan3A_276, %scan3A_591 : i32
        %get3A_593 = arith.constant 1 : i32
        %get3A_594 = arith.index_cast %get3A_593 : i32 to index
        %get3A_595 = arith.index_cast %scan3A_592 : i32 to index
        %get3A_596 = arith.constant 0 : index
        %get3A_597 = tpu.vector_load %arg8[%get3A_594, %get3A_595, %get3A_596] {strides = array<i32>} : memref<2x128x128xf32, #tpu.memory_space<vmem>>, vector<1x1x16xf32>,
        %get3A_598 = vector.shape_cast %get3A_597 : vector<1x1x16xf32> to vector<16xf32>
        %swap3A_599 = arith.constant 1 : i32
        %swap3A_600 = arith.index_cast %swap3A_599 : i32 to index
        %swap3A_601 = arith.index_cast %scan3A_592 : i32 to index
        %swap3A_602 = arith.constant 0 : index
        %swap3A_603 = tpu.vector_load %arg7[%swap3A_600, %swap3A_601, %swap3A_602] {strides = array<i32>} : memref<2x128x128xf32, #tpu.memory_space<vmem>>, vector<1x1x16xf32>,
        %swap3A_604 = vector.shape_cast %swap3A_603 : vector<1x1x16xf32> to vector<16xf32>
        %swap3A_605 = vector.shape_cast %get3A_598 : vector<16xf32> to vector<1x1x16xf32>
        tpu.vector_store %arg7[%swap3A_600, %swap3A_601, %swap3A_602], %swap3A_605 {add = true, strides = array<i32>} : memref<2x128x128xf32, #tpu.memory_space<vmem>>, vector<1x1x16xf32>,
        %get3A_606 = arith.constant 1 : i32
        %get3A_607 = arith.index_cast %get3A_606 : i32 to index
        %get3A_608 = arith.index_cast %scan3A_592 : i32 to index
        %get3A_609 = arith.constant 16 : index
        %get3A_610 = tpu.vector_load %arg8[%get3A_607, %get3A_608, %get3A_609] {strides = array<i32>} : memref<2x128x128xf32, #tpu.memory_space<vmem>>, vector<1x1x16xf32>,
        %get3A_611 = vector.shape_cast %get3A_610 : vector<1x1x16xf32> to vector<16xf32>
        %swap3A_612 = arith.constant 1 : i32
        %swap3A_613 = arith.index_cast %swap3A_612 : i32 to index
        %swap3A_614 = arith.index_cast %scan3A_592 : i32 to index
        %swap3A_615 = arith.constant 16 : index
        %swap3A_616 = tpu.vector_load %arg7[%swap3A_613, %swap3A_614, %swap3A_615] {strides = array<i32>} : memref<2x128x128xf32, #tpu.memory_space<vmem>>, vector<1x1x16xf32>,
        %swap3A_617 = vector.shape_cast %swap3A_616 : vector<1x1x16xf32> to vector<16xf32>
        %swap3A_618 = vector.shape_cast %get3A_611 : vector<16xf32> to vector<1x1x16xf32>
        tpu.vector_store %arg7[%swap3A_613, %swap3A_614, %swap3A_615], %swap3A_618 {add = true, strides = array<i32>} : memref<2x128x128xf32, #tpu.memory_space<vmem>>, vector<1x1x16xf32>,
        %get3A_619 = arith.constant 1 : i32
        %get3A_620 = arith.index_cast %get3A_619 : i32 to index
        %get3A_621 = arith.index_cast %scan3A_592 : i32 to index
        %get3A_622 = arith.constant 32 : index
        %get3A_623 = tpu.vector_load %arg8[%get3A_620, %get3A_621, %get3A_622] {strides = array<i32>} : memref<2x128x128xf32, #tpu.memory_space<vmem>>, vector<1x1x16xf32>,
        %get3A_624 = vector.shape_cast %get3A_623 : vector<1x1x16xf32> to vector<16xf32>
        %swap3A_625 = arith.constant 1 : i32
        %swap3A_626 = arith.index_cast %swap3A_625 : i32 to index
        %swap3A_627 = arith.index_cast %scan3A_592 : i32 to index
        %swap3A_628 = arith.constant 32 : index
        %swap3A_629 = tpu.vector_load %arg7[%swap3A_626, %swap3A_627, %swap3A_628] {strides = array<i32>} : memref<2x128x128xf32, #tpu.memory_space<vmem>>, vector<1x1x16xf32>,
        %swap3A_630 = vector.shape_cast %swap3A_629 : vector<1x1x16xf32> to vector<16xf32>
        %swap3A_631 = vector.shape_cast %get3A_624 : vector<16xf32> to vector<1x1x16xf32>
        tpu.vector_store %arg7[%swap3A_626, %swap3A_627, %swap3A_628], %swap3A_631 {add = true, strides = array<i32>} : memref<2x128x128xf32, #tpu.memory_space<vmem>>, vector<1x1x16xf32>,
        %get3A_632 = arith.constant 1 : i32
        %get3A_633 = arith.index_cast %get3A_632 : i32 to index
        %get3A_634 = arith.index_cast %scan3A_592 : i32 to index
        %get3A_635 = arith.constant 48 : index
        %get3A_636 = tpu.vector_load %arg8[%get3A_633, %get3A_634, %get3A_635] {strides = array<i32>} : memref<2x128x128xf32, #tpu.memory_space<vmem>>, vector<1x1x16xf32>,
        %get3A_637 = vector.shape_cast %get3A_636 : vector<1x1x16xf32> to vector<16xf32>
        %swap3A_638 = arith.constant 1 : i32
        %swap3A_639 = arith.index_cast %swap3A_638 : i32 to index
        %swap3A_640 = arith.index_cast %scan3A_592 : i32 to index
        %swap3A_641 = arith.constant 48 : index
        %swap3A_642 = tpu.vector_load %arg7[%swap3A_639, %swap3A_640, %swap3A_641] {strides = array<i32>} : memref<2x128x128xf32, #tpu.memory_space<vmem>>, vector<1x1x16xf32>,
        %swap3A_643 = vector.shape_cast %swap3A_642 : vector<1x1x16xf32> to vector<16xf32>
        %swap3A_644 = vector.shape_cast %get3A_637 : vector<16xf32> to vector<1x1x16xf32>
        tpu.vector_store %arg7[%swap3A_639, %swap3A_640, %swap3A_641], %swap3A_644 {add = true, strides = array<i32>} : memref<2x128x128xf32, #tpu.memory_space<vmem>>, vector<1x1x16xf32>,
        %get3A_645 = arith.constant 1 : i32
        %get3A_646 = arith.index_cast %get3A_645 : i32 to index
        %get3A_647 = arith.index_cast %scan3A_592 : i32 to index
        %get3A_648 = arith.constant 64 : index
        %get3A_649 = tpu.vector_load %arg8[%get3A_646, %get3A_647, %get3A_648] {strides = array<i32>} : memref<2x128x128xf32, #tpu.memory_space<vmem>>, vector<1x1x16xf32>,
        %get3A_650 = vector.shape_cast %get3A_649 : vector<1x1x16xf32> to vector<16xf32>
        %swap3A_651 = arith.constant 1 : i32
        %swap3A_652 = arith.index_cast %swap3A_651 : i32 to index
        %swap3A_653 = arith.index_cast %scan3A_592 : i32 to index
        %swap3A_654 = arith.constant 64 : index
        %swap3A_655 = tpu.vector_load %arg7[%swap3A_652, %swap3A_653, %swap3A_654] {strides = array<i32>} : memref<2x128x128xf32, #tpu.memory_space<vmem>>, vector<1x1x16xf32>,
        %swap3A_656 = vector.shape_cast %swap3A_655 : vector<1x1x16xf32> to vector<16xf32>
        %swap3A_657 = vector.shape_cast %get3A_650 : vector<16xf32> to vector<1x1x16xf32>
        tpu.vector_store %arg7[%swap3A_652, %swap3A_653, %swap3A_654], %swap3A_657 {add = true, strides = array<i32>} : memref<2x128x128xf32, #tpu.memory_space<vmem>>, vector<1x1x16xf32>,
        %get3A_658 = arith.constant 1 : i32
        %get3A_659 = arith.index_cast %get3A_658 : i32 to index
        %get3A_660 = arith.index_cast %scan3A_592 : i32 to index
        %get3A_661 = arith.constant 80 : index
        %get3A_662 = tpu.vector_load %arg8[%get3A_659, %get3A_660, %get3A_661] {strides = array<i32>} : memref<2x128x128xf32, #tpu.memory_space<vmem>>, vector<1x1x16xf32>,
        %get3A_663 = vector.shape_cast %get3A_662 : vector<1x1x16xf32> to vector<16xf32>
        %swap3A_664 = arith.constant 1 : i32
        %swap3A_665 = arith.index_cast %swap3A_664 : i32 to index
        %swap3A_666 = arith.index_cast %scan3A_592 : i32 to index
        %swap3A_667 = arith.constant 80 : index
        %swap3A_668 = tpu.vector_load %arg7[%swap3A_665, %swap3A_666, %swap3A_667] {strides = array<i32>} : memref<2x128x128xf32, #tpu.memory_space<vmem>>, vector<1x1x16xf32>,
        %swap3A_669 = vector.shape_cast %swap3A_668 : vector<1x1x16xf32> to vector<16xf32>
        %swap3A_670 = vector.shape_cast %get3A_663 : vector<16xf32> to vector<1x1x16xf32>
        tpu.vector_store %arg7[%swap3A_665, %swap3A_666, %swap3A_667], %swap3A_670 {add = true, strides = array<i32>} : memref<2x128x128xf32, #tpu.memory_space<vmem>>, vector<1x1x16xf32>,
        %get3A_671 = arith.constant 1 : i32
        %get3A_672 = arith.index_cast %get3A_671 : i32 to index
        %get3A_673 = arith.index_cast %scan3A_592 : i32 to index
        %get3A_674 = arith.constant 96 : index
        %get3A_675 = tpu.vector_load %arg8[%get3A_672, %get3A_673, %get3A_674] {strides = array<i32>} : memref<2x128x128xf32, #tpu.memory_space<vmem>>, vector<1x1x16xf32>,
        %get3A_676 = vector.shape_cast %get3A_675 : vector<1x1x16xf32> to vector<16xf32>
        %swap3A_677 = arith.constant 1 : i32
        %swap3A_678 = arith.index_cast %swap3A_677 : i32 to index
        %swap3A_679 = arith.index_cast %scan3A_592 : i32 to index
        %swap3A_680 = arith.constant 96 : index
        %swap3A_681 = tpu.vector_load %arg7[%swap3A_678, %swap3A_679, %swap3A_680] {strides = array<i32>} : memref<2x128x128xf32, #tpu.memory_space<vmem>>, vector<1x1x16xf32>,
        %swap3A_682 = vector.shape_cast %swap3A_681 : vector<1x1x16xf32> to vector<16xf32>
        %swap3A_683 = vector.shape_cast %get3A_676 : vector<16xf32> to vector<1x1x16xf32>
        tpu.vector_store %arg7[%swap3A_678, %swap3A_679, %swap3A_680], %swap3A_683 {add = true, strides = array<i32>} : memref<2x128x128xf32, #tpu.memory_space<vmem>>, vector<1x1x16xf32>,
        %get3A_684 = arith.constant 1 : i32
        %get3A_685 = arith.index_cast %get3A_684 : i32 to index
        %get3A_686 = arith.index_cast %scan3A_592 : i32 to index
        %get3A_687 = arith.constant 112 : index
        %get3A_688 = tpu.vector_load %arg8[%get3A_685, %get3A_686, %get3A_687] {strides = array<i32>} : memref<2x128x128xf32, #tpu.memory_space<vmem>>, vector<1x1x16xf32>,
        %get3A_689 = vector.shape_cast %get3A_688 : vector<1x1x16xf32> to vector<16xf32>
        %swap3A_690 = arith.constant 1 : i32
        %swap3A_691 = arith.index_cast %swap3A_690 : i32 to index
        %swap3A_692 = arith.index_cast %scan3A_592 : i32 to index
        %swap3A_693 = arith.constant 112 : index
        %swap3A_694 = tpu.vector_load %arg7[%swap3A_691, %swap3A_692, %swap3A_693] {strides = array<i32>} : memref<2x128x128xf32, #tpu.memory_space<vmem>>, vector<1x1x16xf32>,
        %swap3A_695 = vector.shape_cast %swap3A_694 : vector<1x1x16xf32> to vector<16xf32>
        %swap3A_696 = vector.shape_cast %get3A_689 : vector<16xf32> to vector<1x1x16xf32>
        tpu.vector_store %arg7[%swap3A_691, %swap3A_692, %swap3A_693], %swap3A_696 {add = true, strides = array<i32>} : memref<2x128x128xf32, #tpu.memory_space<vmem>>, vector<1x1x16xf32>,
      }
      %scan3A_260 = arith.constant 128 : i32
      %mul3A_261 = arith.constant 128 : i32
      %mul3A_262 = arith.muli %add3A_223, %mul3A_261 : i32
      %dma_start3A_263 = arith.constant 1 : i32
      %dma_start3A_264 = arith.constant 0 : i32
      %dma_start3A_265 = arith.constant 0 : i32
      %dma_start3A_266 = tpu.memref_slice %arg7[%dma_start3A_263, %dma_start3A_264, %dma_start3A_265] : memref<2x128x128xf32, #tpu.memory_space<vmem>> -> memref<1x128x128xf32, #tpu.memory_space<vmem>>
      %dma_start3A_267 = tpu.memref_squeeze %dma_start3A_266 : memref<1x128x128xf32, #tpu.memory_space<vmem>> -> memref<128x128xf32, #tpu.memory_space<vmem>>
      %dma_start3A_268 = arith.constant 0 : i32
      %dma_start3A_269 = tpu.memref_slice %arg5[%mul3A_262, %dma_start3A_268] : memref<819200x128xf32, #tpu.memory_space<hbm>> -> memref<128x128xf32, #tpu.memory_space<hbm>>
      %dma_start3A_270 = arith.constant 0 : i32
      %dma_start3A_271 = tpu.memref_slice %arg5[%mul3A_262, %dma_start3A_270] : memref<819200x128xf32, #tpu.memory_space<hbm>> -> memref<128x128xf32, #tpu.memory_space<hbm>>
      %dma_start3A_272 = arith.constant 0 : i32
      %dma_start3A_273 = arith.constant 0 : i32
      %dma_start3A_274 = tpu.memref_slice %arg7[%dma_start3A_263, %dma_start3A_272, %dma_start3A_273] : memref<2x128x128xf32, #tpu.memory_space<vmem>> -> memref<1x128x128xf32, #tpu.memory_space<vmem>>
      %dma_start3A_275 = tpu.memref_squeeze %dma_start3A_274 : memref<1x128x128xf32, #tpu.memory_space<vmem>> -> memref<128x128xf32, #tpu.memory_space<vmem>>
      tpu.enqueue_dma source(%dma_start3A_275 : memref<128x128xf32, #tpu.memory_space<vmem>>) target(%dma_start3A_271 : memref<128x128xf32, #tpu.memory_space<hbm>>) target_semaphore(%arg16 : memref<!tpu.dma_semaphore, #tpu.memory_space<semaphore_mem>>)
    }
    %scan3A_85 = arith.constant 100 : i32
    %dma_wait3A_86 = arith.constant 0 : i32
    %dma_wait3A_87 = arith.constant 0 : i32
    %dma_wait3A_88 = arith.constant 0 : i32
    %dma_wait3A_89 = tpu.memref_slice %arg7[%dma_wait3A_86, %dma_wait3A_87, %dma_wait3A_88] : memref<2x128x128xf32, #tpu.memory_space<vmem>> -> memref<1x128x128xf32, #tpu.memory_space<vmem>>
    %dma_wait3A_90 = tpu.memref_squeeze %dma_wait3A_89 : memref<1x128x128xf32, #tpu.memory_space<vmem>> -> memref<128x128xf32, #tpu.memory_space<vmem>>
    %dma_wait3A_91 = arith.constant 0 : i32
    %dma_wait3A_92 = arith.constant 0 : i32
    %dma_wait3A_93 = tpu.memref_slice %arg5[%dma_wait3A_91, %dma_wait3A_92] : memref<819200x128xf32, #tpu.memory_space<hbm>> -> memref<128x128xf32, #tpu.memory_space<hbm>>
    %dma_wait3A_94 = arith.constant 0 : i32
    %dma_wait3A_95 = arith.constant 0 : i32
    %dma_wait3A_96 = tpu.memref_slice %arg5[%dma_wait3A_94, %dma_wait3A_95] : memref<819200x128xf32, #tpu.memory_space<hbm>> -> memref<128x128xf32, #tpu.memory_space<hbm>>
    %dma_wait3A_97 = arith.constant 0 : i32
    %dma_wait3A_98 = arith.constant 0 : i32
    %dma_wait3A_99 = tpu.memref_slice %arg7[%dma_wait3A_86, %dma_wait3A_97, %dma_wait3A_98] : memref<2x128x128xf32, #tpu.memory_space<vmem>> -> memref<1x128x128xf32, #tpu.memory_space<vmem>>
    %dma_wait3A_100 = tpu.memref_squeeze %dma_wait3A_99 : memref<1x128x128xf32, #tpu.memory_space<vmem>> -> memref<128x128xf32, #tpu.memory_space<vmem>>
    tpu.wait_dma2 semaphore(%arg15 : memref<!tpu.dma_semaphore, #tpu.memory_space<semaphore_mem>>) src(%dma_wait3A_100 : memref<128x128xf32, #tpu.memory_space<vmem>>) dst(%dma_wait3A_96 : memref<128x128xf32, #tpu.memory_space<hbm>>)
    %dma_wait3A_101 = arith.constant 1 : i32
    %dma_wait3A_102 = arith.constant 0 : i32
    %dma_wait3A_103 = arith.constant 0 : i32
    %dma_wait3A_104 = tpu.memref_slice %arg7[%dma_wait3A_101, %dma_wait3A_102, %dma_wait3A_103] : memref<2x128x128xf32, #tpu.memory_space<vmem>> -> memref<1x128x128xf32, #tpu.memory_space<vmem>>
    %dma_wait3A_105 = tpu.memref_squeeze %dma_wait3A_104 : memref<1x128x128xf32, #tpu.memory_space<vmem>> -> memref<128x128xf32, #tpu.memory_space<vmem>>
    %dma_wait3A_106 = arith.constant 0 : i32
    %dma_wait3A_107 = arith.constant 0 : i32
    %dma_wait3A_108 = tpu.memref_slice %arg5[%dma_wait3A_106, %dma_wait3A_107] : memref<819200x128xf32, #tpu.memory_space<hbm>> -> memref<128x128xf32, #tpu.memory_space<hbm>>
    %dma_wait3A_109 = arith.constant 0 : i32
    %dma_wait3A_110 = arith.constant 0 : i32
    %dma_wait3A_111 = tpu.memref_slice %arg5[%dma_wait3A_109, %dma_wait3A_110] : memref<819200x128xf32, #tpu.memory_space<hbm>> -> memref<128x128xf32, #tpu.memory_space<hbm>>
    %dma_wait3A_112 = arith.constant 0 : i32
    %dma_wait3A_113 = arith.constant 0 : i32
    %dma_wait3A_114 = tpu.memref_slice %arg7[%dma_wait3A_101, %dma_wait3A_112, %dma_wait3A_113] : memref<2x128x128xf32, #tpu.memory_space<vmem>> -> memref<1x128x128xf32, #tpu.memory_space<vmem>>
    %dma_wait3A_115 = tpu.memref_squeeze %dma_wait3A_114 : memref<1x128x128xf32, #tpu.memory_space<vmem>> -> memref<128x128xf32, #tpu.memory_space<vmem>>
    tpu.wait_dma2 semaphore(%arg16 : memref<!tpu.dma_semaphore, #tpu.memory_space<semaphore_mem>>) src(%dma_wait3A_115 : memref<128x128xf32, #tpu.memory_space<vmem>>) dst(%dma_wait3A_111 : memref<128x128xf32, #tpu.memory_space<hbm>>)
    return
  }
}

</mosaic_0001>

<sc_bundles>
// kernel: _sc_embed.3.cloned.1.call-start
scs
__scs_entry_jumppad:
0x0: {  	(pc) =	sbr.rel $0x88, $3  }
0x1: {  	(tag) =	ssettag $0x0;
	lr =	simm.s32 $0x1  }
0x2: {  	[smem:$0x3F9E] =	sst lr;
	_ =	strace $0xD0000000  }
0x3: {  	_ = 	snop  }
0x4: {  	_ = 	snop  }
0x5: {  	_ = 	snop  }
0x6: {  	_ = 	snop  }
0x7: {  	_ = 	snop  }
__scs_overlays_trampoline_lowered:
0x8: {  	[smem:$0x3FAD] =	sst s0  }
0x9: {  	[smem:$0x3FAE] =	sst s1  }
0xa: {  	[smem:$0x3FAF] =	sst s2  }
0xb: {  	[smem:$0x3FB0] =	sst s3  }
0xc: {  	[smem:$0x3FB1] =	sst s4  }
0xd: {  	[smem:$0x3FB2] =	sst s5  }
0xe: {  	[smem:$0x3FB3] =	sst s6  }
0xf: {  	[smem:$0x3FB4] =	sst s7  }
0x10: {  	[smem:$0x3FB5] =	sst s8  }
0x11: {  	[smem:$0x3FB6] =	sst s9;
	s0 =	simm.s32 @!p0 $0x0  }
0x12: {  	s1 =	sld [smem:$0x3F9C];
	s0 =	simm.s32 @p0 $0x1  }
0x13: {  	[smem:$0x3FB7] =	sst s0;
	s0 =	simm.s32 @!p1 $0x0  }
0x14: {  	s2 =	sld [smem:$0x3F9B];
	s0 =	simm.s32 @p1 $0x1  }
0x15: {  	[smem:$0x3FB8] =	sst s0;
	s0 =	simm.s32 @!p2 $0x0  }
0x16: {  	s3 =	sld [smem:$0x3FDB];
	s0 =	simm.s32 @p2 $0x1  }
0x17: {  	s4 =	simm.s32 $0x1BF5;
	[smem:$0x3FBA] =	sst s0  }
0x18: {  	s0 =	sld [smem:$0x3F9D];
	_ =	swait.ge [sflag:s4], $0x0  }
0x19: {  	s7 =	sld [smem:$0x3F9E]  }
0x1a: {  	s8 =	sadd.s32 $0xFFFFE003, lr  }
0x1b: {  	s9 =	sadd.s32 $0xFFFFFEF7, lr;
	s5 =	simm.s32 $0xFFFFFFFF;
	p2 =	slt.u32 s8, $0xFFFFF086  }
0x1c: {  	p1 =	slt.u32 s9, $0xF7A;
	s5 =	simm.s32 @!p2 $0x0  }
0x1d: {  	s5 =	simm.s32 @p1 $0x1;
	p0 =	seq.s32 s7, s2  }
0x1e: {  	s7 =	smul.u32 @!p0 $0xF7A, s2;
	p2 =	seq.s32 @!p0 s5, $0x0  }
0x1f: {  	s9 =	smul.u32 $0xF7A, s1;
	s8 =	simm.s32 @!p0 $0x1BF5;
	p2 =	por !p2, p0  }
0x20: {  	[sflag:s8] =	ssyncset.s32 @!p0 $0xFFFFF086;
	s6 =	sadd.s32 @!p0 s3, s7;
	s7 =	simm.s32 @!p0 $0x108  }
0x21: {  	s3 =	sadd.s32 s3, s9;
	s6 =	sadd.s32 @!p0 $0x88, s6;
	s7 =	simm.s32 @p2 $0x1082  }
0x22: {  	[simem:s7], [sflag:s8] =	dma.local @!p0 [hbm:s6], $0xF7A  }
0x23: {  	s9 =	sor.u32 $0xD0000000, s2;
	s6 =	simm.s32 $0x108;
	_ =	swait.ge @!p0 [sflag:s8], $0x0  }
0x24: {  	s3 =	sadd.s32 $0x88, s3;
	s6 =	simm.s32 @!p1 $0x1082;
	[sflag:s4] =	ssyncset.s32 $0xFFFFF086  }
0x25: {  	[simem:s6], [sflag:s4] =	dma.local [hbm:s3], $0xF7A  }
0x26: {  	[smem:$0x3F9E] =	sst s1;
	(tag) =	ssettag s2;
	_ =	strace s9  }
0x27: {  	s1 =	sld [smem:$0x3FAE]  }
0x28: {  	s2 =	sld [smem:$0x3FAF]  }
0x29: {  	s4 =	sld [smem:$0x3FB1]  }
0x2a: {  	p0 =	seq.s32 s5, $0x0;
	s5 =	sld [smem:$0x3FB2]  }
0x2b: {  	s6 =	sld [smem:$0x3FB3]  }
0x2c: {  	s7 =	sld [smem:$0x3FB4]  }
0x2d: {  	s3 =	simm.s32 $0x108;
	s8 =	sld [smem:$0x3FB5]  }
0x2e: {  	s3 =	simm.s32 @!p0 $0x1082;
	s9 =	sld [smem:$0x3FB6]  }
0x2f: {  	lr =	sadd.s32 s0, s3;
	s0 =	sld [smem:$0x3FAD]  }
0x30: {  	s3 =	sld [smem:$0x3FB0]  }
0x31: {  	[smem:$0x3FB9] =	sst s10  }
0x32: {  	s10 =	sld [smem:$0x3FB7];
	_ =	sdelay $0x3  }
0x33: {  	p0 =	seq.s32 s10, $0x1;
	s10 =	sld [smem:$0x3FB9];
	_ =	sdelay $0x3  }
0x34: {  	[smem:$0x3FB9] =	sst s10  }
0x35: {  	s10 =	sld [smem:$0x3FB8];
	_ =	sdelay $0x3  }
0x36: {  	p1 =	seq.s32 s10, $0x1;
	s10 =	sld [smem:$0x3FB9];
	_ =	sdelay $0x3  }
0x37: {  	[smem:$0x3FB9] =	sst s10  }
0x38: {  	s10 =	sld [smem:$0x3FBA]  }
0x39: {  	_ = 	snop;
	(pc) =	sbr.ind lr, $3  }
0x3a: {  	_ = 	snop  }
0x3b: {  	_ = 	snop  }
0x3c: {  	p2 =	seq.s32 s10, $0x1;
	s10 =	sld [smem:$0x3FB9]  }
0x3d: {  	_ =	shalt  }
0x3e: {  	_ =	shalt  }
0x3f: {  	_ =	shalt  }
0x40: {  	_ =	shalt  }
0x41: {  	_ =	shalt  }
0x42: {  	_ =	shalt  }
0x43: {  	_ =	shalt  }
0x44: {  	_ =	shalt  }
0x45: {  	_ =	shalt  }
0x46: {  	_ =	shalt  }
0x47: {  	_ =	shalt  }
0x48: {  	_ =	shalt  }
0x49: {  	_ =	shalt  }
0x4a: {  	_ =	shalt  }
0x4b: {  	_ =	shalt  }
0x4c: {  	_ =	shalt  }
0x4d: {  	_ =	shalt  }
0x4e: {  	_ =	shalt  }
0x4f: {  	_ =	shalt  }
0x50: {  	_ =	shalt  }
0x51: {  	_ =	shalt  }
0x52: {  	_ =	shalt  }
0x53: {  	_ =	shalt  }
0x54: {  	_ =	shalt  }
0x55: {  	_ =	shalt  }
0x56: {  	_ =	shalt  }
0x57: {  	_ =	shalt  }
0x58: {  	_ =	shalt  }
0x59: {  	_ =	shalt  }
0x5a: {  	_ =	shalt  }
0x5b: {  	_ =	shalt  }
0x5c: {  	_ =	shalt  }
0x5d: {  	_ =	shalt  }
0x5e: {  	_ =	shalt  }
0x5f: {  	_ =	shalt  }
0x60: {  	_ =	shalt  }
0x61: {  	_ =	shalt  }
0x62: {  	_ =	shalt  }
0x63: {  	_ =	shalt  }
0x64: {  	_ =	shalt  }
0x65: {  	_ =	shalt  }
0x66: {  	_ =	shalt  }
0x67: {  	_ =	shalt  }
0x68: {  	_ =	shalt  }
0x69: {  	_ =	shalt  }
0x6a: {  	_ =	shalt  }
0x6b: {  	_ =	shalt  }
0x6c: {  	_ =	shalt  }
0x6d: {  	_ =	shalt  }
0x6e: {  	_ =	shalt  }
0x6f: {  	_ =	shalt  }
0x70: {  	_ =	shalt  }
0x71: {  	_ =	shalt  }
0x72: {  	_ =	shalt  }
0x73: {  	_ =	shalt  }
0x74: {  	_ =	shalt  }
0x75: {  	_ =	shalt  }
0x76: {  	_ =	shalt  }
0x77: {  	_ =	shalt  }
0x78: {  	_ =	shalt  }
0x79: {  	_ =	shalt  }
0x7a: {  	_ =	shalt  }
0x7b: {  	_ =	shalt  }
0x7c: {  	_ =	shalt  }
0x7d: {  	_ =	shalt  }
0x7e: {  	_ =	shalt  }
0x7f: {  	_ =	shalt  }
0x80: {  	_ =	shalt  }
0x81: {  	_ =	shalt  }
0x82: {  	_ =	shalt  }
0x83: {  	_ =	shalt  }
0x84: {  	_ =	shalt  }
0x85: {  	_ =	shalt  }
0x86: {  	_ =	shalt  }
0x87: {  	_ =	shalt  }
.Lfunc_end0:
.L_simem_size_0:
called_computation_lowered:
.L_overlay_start_0:
0x88: {  	s2 =	sld [smem:$0x3FD9]  }
0x89: {  	s3 =	sld [smem:$0x3FFE];
	_ =	sdelay $0x1  }
0x8a: {  	s1 =	srdreg.scid  }
0x8b: {  	s0 =	sand.u32 $0x1, s1  }
0x8c: {  	s18 =	sshll.u32 s0, $0xA;
	s2 =	sadd.s32 s3, s2  }
0x8d: {  	s2 =	sadd.s32 s2, s18  }
0x8e: {  	[smem:$0x3FC5] =	sst s2  }
0x8f: {  	_ = 	snop  }
0x90: {  	s2 =	sld [smem:$0x3FC9]  }
0x91: {  	s19 =	sld [smem:$0x3FC8]  }
0x92: {  	s4 =	sld [smem:$0x3FC7]  }
0x93: {  	s5 =	sld [smem:$0x3FD0];
	(tm) =	ssettm $0x1  }
0x94: {  	s6 =	sld [smem:$0x3FFB];
	_ =	sdelay $0x3  }
0x95: {  	_ =	strace s6  }
0x96: {  	s6 =	sld [smem:$0x3FFC];
	_ =	sdelay $0x3  }
0x97: {  	_ =	strace s6  }
0x98: {  	s6 =	sld [smem:$0x3FFD];
	_ =	sdelay $0x3  }
0x99: {  	_ =	strace s6  }
0x9a: {  	_ =	strace $0x8FFFFFFF  }
0x9b: {  	s20 =	sld [smem:$0x3FDB];
	_ =	sdelay $0x1  }
0x9c: {  	s7 =	simm.s32 $_scs_section_size  }
0x9d: {  	s8 =	simm.s32 $_size__tile_overlayer_lowered;
	s9 =	simm.s32 $_tile_overlayer_lowered  }
0x9e: {  	s23 =	simm.s32 $0x1BFF;
	s22 =	sshll.u32 s9, $0x1;
	s6 =	sadd.s32 s7, s20  }
0x9f: {  	s10 =	simm.s32 $0x0;
	s21 =	sshll.u32 s8, $0x1;
	s8 =	sadd.s32 s22, s6  }
0xa0: {  	[timem:s10], [sflag:s23] =	dma.local [hbm:s8], s21  }
0xa1: {  	_ =	swait.ge [sflag:s23], s21  }
0xa2: {  	s7 =	ssub.s32 $0x0, s21;
	[sflag:s23] =	ssyncset.done $0x0  }
0xa3: {  	[sflag:s23] =	ssyncadd.s32 s7;
	_ =	sdelay $0x1  }
0xa4: {  	s24 =	simm.s32 $0x1B8B  }
0xa5: {  	_ =	swait.ge [sflag:s24], $0x1  }
0xa6: {  	[sflag:s24] =	ssyncset.done $0x0  }
0xa7: {  	s25 =	simm.s32 $0x1B8E;
	[sflag:s24] =	ssyncadd.s32 $0xFFFFFFFF  }
0xa8: {  	s26 =	simm.s32 $execute0_lowered;
	[smem:$0x3FD2] =	sst s25  }
0xa9: {  	s7 =	sshll.u32 s26, $0x1;
	_ =	strace $0x80000046;
	[dreg:$0x1] =	wrdreg $0xFFFFFFFF  }
0xaa: {  	s28 =	simm.s32 $_size_execute0_lowered;
	s6 =	sadd.s32 s6, s7;
	[dreg:$0x0] =	wrdreg $0x0  }
0xab: {  	s7 =	sshll.u32 s28, $0x1;
	[dreg:$0x2] =	wrdreg s6  }
0xac: {  	[dreg:$0x3] =	wrdreg s7  }
0xad: {  	[dreg:$0x4] =	wrdreg $0xC0  }
0xae: {  	_ =	task [dreg:s10], $0x5FFFF  }
0xaf: {  	[dreg:$0x1] =	wrdreg $0xFFFFFFFF  }
0xb0: {  	[dreg:$0x0] =	wrdreg $0x60  }
0xb1: {  	[dreg:$0x2] =	wrdreg s2  }
0xb2: {  	[dreg:$0x3] =	wrdreg s19  }
0xb3: {  	[dreg:$0x4] =	wrdreg s4  }
0xb4: {  	[dreg:$0x5] =	wrdreg s5  }
0xb5: {  	[dreg:$0x6] =	wrdreg $0x9  }
0xb6: {  	_ =	task.clear_ibuf [dreg:s10], $0x7FFFF;
	_ =	strace $0x90000046  }
0xb7: {  	s29 =	simm.s32 $0x9;
	_ =	strace $0x80000048  }
0xb8: {  	_ =	swait.ge [sflag:s29], $0x1  }
0xb9: {  	[sflag:s29] =	ssyncadd.s32 $0xFFFFFFFF  }
0xba: {  	_ =	strace $0x90000048  }
0xbb: {  	_ =	sfence  }
0xbc: {  	s30 =	sld [smem:$0x0];
	_ =	sdelay $0x2  }
0xbd: {  	s31 =	sshll.u32 s1, $0xD;
	s1 =	sshrl.u32 s1, $0x2  }
0xbe: {  	s3 =	sand.u32 $0x4000, s31;
	s1 =	sadd.s32 s1, s30  }
0xbf: {  	s0 =	sor.u32 s3, s0;
	s1 =	sshll.u32 s1, $0x11  }
0xc0: {  	s0 =	sor.u32 s1, s0  }
0xc1: {  	s0 =	sadd.s32 $0x8F2B, s0  }
0xc2: {  	[sflag:s0] =	ssyncadd.remote.s32 $0x1  }
0xc3: {  	_ =	sfence.sel $0xFFFF  }
0xc4: {  	[dreg:$0x0] =	wrdreg $0xFFFFFFFF;
	(pc) =	sbr.abs _section_cstart, $3  }
0xc5: {  	[dreg:$0x1] =	wrdreg $0xFFFFFFFF  }
0xc6: {  	_ =	task.clear_ibuf [dreg:s10], $0x2FFFF;
	_ =	strace $0x9FFFFFFF  }
0xc7: {  	(tm) =	ssettm $0x7FFFFFFF  }
tec
execute0_lowered:
.L_overlay_start_1:
0x0: {  	(tag) =	ssettag $0x1  }
0x1: {  	s0 =	rddreg [dreg:$0x0]  }
0x2: {  	s1 =	rddreg [dreg:$0x1]  }
0x3: {  	s2 =	srdreg.scid;
	s4 =	stileid.u32  }
0x4: {  	s3 =	rddreg [dreg:$0x2];
	s11 =	simm.s32 $0x100;
	s12 =	simm.s32 $0x1  }
0x5: {  	s13 =	simm.s32 $0x80;
	s14 =	simm.s32 $0x200;
	s15 =	simm.s32 $0x8200  }
0x6: {  	s16 =	simm.s32 $0x3;
	s17 =	simm.s32 $0x5;
	s18 =	simm.s32 $0x2  }
0x7: {  	s19 =	simm.s32 $0x4200;
	s20 =	simm.s32 $0x180;
	s21 =	simm.s32 $0xC200  }
0x8: {  	s22 =	simm.s32 $0x4;
	s23 =	simm.s32 $0x6;
	s24 =	simm.s32 $0x7  }
0x9: {  	s25 =	simm.s32 $0x8;
	s2 =	sand.u32 $0x1, s2;
	s5 =	sshll.u32 s4, $0x1  }
0xa: {  	s26 =	simm.s32 $0x0;
	s4 =	rddreg [dreg:$0x3];
	s7 =	sor.u32 s2, s5  }
0xb: {  	s5 =	simm.s32 $0x0;
	s2 =	ssub.s32 $0x2, s2;
	s6 =	smul.u32 $0x1900, s7  }
0xc: {  	s9 =	sadd.s32 $0x40, s0;
	[smem:$0x7FF] =	sst s5;
	s8 =	sshrl.u32 s2, $0x1  }
0xd: {  	s7 =	smul.u32 $0xC8, s7;
	s2 =	ssub.s32 s2, s8;
	s6 =	sadd.s32 s0, s6  }
0xe: {  	_ =	strace $0x80000047;
	s10 =	smax.u32 s2, $0x1;
	s8 =	sadd.s32 $0x20, s6  }
.LBB2_1:
0xf: {  	[tilespmem:s5], [sflag:$0x1] =	stream.linear.gather [hbm4b:s6+s5], $0x100, $0x38;
	[tilespmem:$0x10200] =	vst v63  }
0x10: {  	_ = 	snop  }
0x11: {  	[tilespmem:s11], [sflag:$0x2] =	stream.linear.gather [hbm4b:s8+s5], $0x100, $0x38;
	[tilespmem:$0x10200] =	vst v63  }
0x12: {  	_ =	swait.ge [sflag:s12], $0x100  }
0x13: {  	[sflag:s12] =	ssyncset.done $0x0  }
0x14: {  	[sflag:s12] =	ssyncadd.s32 $0xFFFFFF00  }
0x15: {  	[tilespmem:s14], [sflag:$0x3] =	stream.indirect.gather [hbm4b:s1+s13], $0x80, s5, s13, $0xb8;
	[tilespmem:$0x10200] =	vst v63  }
0x16: {  	s28 =	simm.s32 $0x0  }
0x17: {  	[tilespmem:s15], [sflag:$0x5] =	stream.indirect.gather [hbm4b:s3+s13], $0x80, s13, s13, $0xb8;
	[tilespmem:$0x10200] =	vst v63  }
.LBB2_2:
0x18: {  	_ =	swait.ge [sflag:s16], $0x4000  }
0x19: {  	[sflag:s16] =	ssyncset.done $0x0  }
0x1a: {  	[sflag:s16] =	ssyncadd.s32 $0xFFFFC000  }
0x1b: {  	p0 =	sne.s32 s28, $0x0;
	_ =	swait.ge [sflag:s17], $0x4000  }
.Ltmp0:
0x1c: {  	[sflag:s17] =	ssyncset.done $0x0;
	(pc) =	sbr.rel @!p0 .LBB2_3-.Ltmp0, $4  }
0x1d: {  	[sflag:s17] =	ssyncadd.s32 $0xFFFFC000  }
0x1e: {  	_ =	swait.ge [sflag:s18], $0x100  }
0x1f: {  	s29 =	sshll.u32 s28, $0x1;
	[sflag:s18] =	ssyncset.done $0x0  }
0x20: {  	s30 =	sadd.s32 s7, s29;
	[sflag:s18] =	ssyncadd.s32 $0xFFFFFF00  }
0x21: {  	_ =	swait.ge [sflag:s25], $0x4000;
	p1 =	seq.s32 s28, $0x63  }
.Ltmp1:
0x22: {  	[sflag:s25] =	ssyncset.done $0x0;
	(pc) =	sbr.rel @p1 .LBB2_6-.Ltmp1, $4  }
.Ltmp2:
0x23: {  	[sflag:s25] =	ssyncadd.s32 $0xFFFFC000;
	(pc) =	sbr.rel @!p1 .LBB2_5-.Ltmp2, $4  }
0x24: {  	[tilespmem:s19], [sflag:$0x4] =	stream.indirect.gather [hbm4b:s1+s13], $0x80, s11, s13, $0xb8;
	[tilespmem:$0x10200] =	vst v63  }
0x25: {  	p0 =	por $0x1, $0x1  }
0x26: {  	[tilespmem:s21], [sflag:$0x6] =	stream.indirect.gather [hbm4b:s3+s13], $0x80, s20, s13, $0xb8;
	[tilespmem:$0x10200] =	vst v63  }
0x27: {  	_ = 	snop  }
.LBB2_3:
0x28: {  	[tilespmem:s19], [sflag:$0x4] =	stream.indirect.gather [hbm4b:s1+s13], $0x80, s11, s13, $0xb8;
	[tilespmem:$0x10200] =	vst v63  }
0x29: {  	_ = 	snop  }
0x2a: {  	[tilespmem:s21], [sflag:$0x6] =	stream.indirect.gather [hbm4b:s3+s13], $0x80, s20, s13, $0xb8;
	[tilespmem:$0x10200] =	vst v63  }
.LBB2_5:
0x2b: {  	s0 =	sshll.u32 s30, $0x5  }
0x2c: {  	p0 =	por $0x0, $0x0;
	s0 =	sadd.s32 s0, s9  }
0x2d: {  	[tilespmem:s5], [sflag:$0x1] =	stream.linear.gather [hbm4b:s0+s5], $0x100, $0x38;
	[tilespmem:$0x10200] =	vst v63  }
.LBB2_6:
0x2e: {  	s31 =	simm.s32 $0x0  }
0x2f: {  	v0 =	vld [tilespmem:s31+$0x83F0]  }
0x30: {  	v1 =	vld [tilespmem:s31+$0x8200]  }
0x31: {  	v2 =	vld [tilespmem:s31+$0x8210]  }
0x32: {  	v3 =	vld [tilespmem:s31+$0x8220]  }
0x33: {  	v4 =	vld [tilespmem:s31+$0x8230]  }
0x34: {  	v5 =	vld [tilespmem:s31+$0x8240]  }
0x35: {  	v6 =	vld [tilespmem:s31+$0x8250]  }
0x36: {  	v7 =	vld [tilespmem:s31+$0x8260]  }
0x37: {  	v8 =	vld [tilespmem:s31+$0x8270]  }
0x38: {  	v9 =	vld [tilespmem:s31+$0x8280]  }
0x39: {  	v10 =	vld [tilespmem:s31+$0x8290]  }
0x3a: {  	v11 =	vld [tilespmem:s31+$0x82A0]  }
0x3b: {  	v12 =	vld [tilespmem:s31+$0x82B0]  }
0x3c: {  	v13 =	vld [tilespmem:s31+$0x82C0]  }
0x3d: {  	v14 =	vld [tilespmem:s31+$0x82D0]  }
0x3e: {  	v15 =	vld [tilespmem:s31+$0x82E0]  }
0x3f: {  	v16 =	vld [tilespmem:s31+$0x82F0]  }
0x40: {  	v17 =	vld [tilespmem:s31+$0x8300]  }
0x41: {  	v18 =	vld [tilespmem:s31+$0x8310]  }
0x42: {  	v19 =	vld [tilespmem:s31+$0x8320]  }
0x43: {  	v20 =	vld [tilespmem:s31+$0x8330]  }
0x44: {  	v21 =	vld [tilespmem:s31+$0x8340]  }
0x45: {  	v22 =	vld [tilespmem:s31+$0x8350]  }
0x46: {  	v23 =	vld [tilespmem:s31+$0x8360]  }
0x47: {  	v24 =	vld [tilespmem:s31+$0x8370]  }
0x48: {  	v25 =	vld [tilespmem:s31+$0x8380]  }
0x49: {  	v26 =	vld [tilespmem:s31+$0x8390]  }
0x4a: {  	v27 =	vld [tilespmem:s31+$0x83A0]  }
0x4b: {  	v28 =	vld [tilespmem:s31+$0x83B0]  }
0x4c: {  	v29 =	vld [tilespmem:s31+$0x83C0]  }
0x4d: {  	v30 =	vld [tilespmem:s31+$0x83D0]  }
0x4e: {  	[tilespmem:s31+$0x3F0] =	vst.add.f32.msk $0xffff, v0  }
0x4f: {  	v0 =	vld [tilespmem:s31+$0x83E0]  }
0x50: {  	[tilespmem:s31+$0x200] =	vst.add.f32.msk $0xffff, v1  }
0x51: {  	[tilespmem:s31+$0x210] =	vst.add.f32.msk $0xffff, v2  }
0x52: {  	[tilespmem:s31+$0x220] =	vst.add.f32.msk $0xffff, v3  }
0x53: {  	[tilespmem:s31+$0x230] =	vst.add.f32.msk $0xffff, v4  }
0x54: {  	[tilespmem:s31+$0x240] =	vst.add.f32.msk $0xffff, v5  }
0x55: {  	[tilespmem:s31+$0x250] =	vst.add.f32.msk $0xffff, v6  }
0x56: {  	[tilespmem:s31+$0x260] =	vst.add.f32.msk $0xffff, v7  }
0x57: {  	[tilespmem:s31+$0x270] =	vst.add.f32.msk $0xffff, v8  }
0x58: {  	[tilespmem:s31+$0x280] =	vst.add.f32.msk $0xffff, v9  }
0x59: {  	[tilespmem:s31+$0x290] =	vst.add.f32.msk $0xffff, v10  }
0x5a: {  	[tilespmem:s31+$0x2A0] =	vst.add.f32.msk $0xffff, v11  }
0x5b: {  	[tilespmem:s31+$0x2B0] =	vst.add.f32.msk $0xffff, v12  }
0x5c: {  	[tilespmem:s31+$0x2C0] =	vst.add.f32.msk $0xffff, v13  }
0x5d: {  	[tilespmem:s31+$0x2D0] =	vst.add.f32.msk $0xffff, v14  }
0x5e: {  	[tilespmem:s31+$0x2E0] =	vst.add.f32.msk $0xffff, v15  }
0x5f: {  	[tilespmem:s31+$0x2F0] =	vst.add.f32.msk $0xffff, v16  }
0x60: {  	[tilespmem:s31+$0x300] =	vst.add.f32.msk $0xffff, v17  }
0x61: {  	[tilespmem:s31+$0x310] =	vst.add.f32.msk $0xffff, v18  }
0x62: {  	[tilespmem:s31+$0x320] =	vst.add.f32.msk $0xffff, v19  }
0x63: {  	[tilespmem:s31+$0x330] =	vst.add.f32.msk $0xffff, v20  }
0x64: {  	[tilespmem:s31+$0x340] =	vst.add.f32.msk $0xffff, v21  }
0x65: {  	[tilespmem:s31+$0x350] =	vst.add.f32.msk $0xffff, v22  }
0x66: {  	[tilespmem:s31+$0x360] =	vst.add.f32.msk $0xffff, v23  }
0x67: {  	[tilespmem:s31+$0x370] =	vst.add.f32.msk $0xffff, v24  }
0x68: {  	[tilespmem:s31+$0x380] =	vst.add.f32.msk $0xffff, v25  }
0x69: {  	[tilespmem:s31+$0x390] =	vst.add.f32.msk $0xffff, v26  }
0x6a: {  	[tilespmem:s31+$0x3A0] =	vst.add.f32.msk $0xffff, v27  }
0x6b: {  	[tilespmem:s31+$0x3B0] =	vst.add.f32.msk $0xffff, v28  }
0x6c: {  	[tilespmem:s31+$0x3C0] =	vst.add.f32.msk $0xffff, v29  }
0x6d: {  	s2 =	simm.s32 $0x0;
	s0 =	simm.s32 $0x800;
	[tilespmem:s31+$0x3D0] =	vst.add.f32.msk $0xffff, v30  }
.LBB2_7:
0x6e: {  	s2 =	sadd.s32 $0x4, s2;
	[tilespmem:s31+$0x3E0] =	vst.add.f32.msk $0xffff, v0;
	s31 =	sshra.s32 s0, $0x2  }
0x6f: {  	v0 =	vld [tilespmem:s31+$0x83F0];
	p1 =	slt.u32 s2, $0x7C  }
0x70: {  	v1 =	vld [tilespmem:s31+$0x8200]  }
0x71: {  	v2 =	vld [tilespmem:s31+$0x8210]  }
0x72: {  	v3 =	vld [tilespmem:s31+$0x8220]  }
0x73: {  	v4 =	vld [tilespmem:s31+$0x8230]  }
0x74: {  	[tilespmem:s31+$0x3F0] =	vst.add.f32.msk $0xffff, v0  }
0x75: {  	v5 =	vld [tilespmem:s31+$0x8240]  }
0x76: {  	v6 =	vld [tilespmem:s31+$0x8250]  }
0x77: {  	v7 =	vld [tilespmem:s31+$0x8260]  }
0x78: {  	v8 =	vld [tilespmem:s31+$0x8270]  }
0x79: {  	v9 =	vld [tilespmem:s31+$0x8280]  }
0x7a: {  	v10 =	vld [tilespmem:s31+$0x8290]  }
0x7b: {  	v11 =	vld [tilespmem:s31+$0x82A0]  }
0x7c: {  	v12 =	vld [tilespmem:s31+$0x82B0]  }
0x7d: {  	v13 =	vld [tilespmem:s31+$0x82C0]  }
0x7e: {  	v14 =	vld [tilespmem:s31+$0x82D0]  }
0x7f: {  	v15 =	vld [tilespmem:s31+$0x82E0]  }
0x80: {  	v16 =	vld [tilespmem:s31+$0x82F0]  }
0x81: {  	v17 =	vld [tilespmem:s31+$0x8300]  }
0x82: {  	v18 =	vld [tilespmem:s31+$0x8310]  }
0x83: {  	v19 =	vld [tilespmem:s31+$0x8320]  }
0x84: {  	v20 =	vld [tilespmem:s31+$0x8330]  }
0x85: {  	v21 =	vld [tilespmem:s31+$0x8340]  }
0x86: {  	v22 =	vld [tilespmem:s31+$0x8350]  }
0x87: {  	v23 =	vld [tilespmem:s31+$0x8360]  }
0x88: {  	v24 =	vld [tilespmem:s31+$0x8370]  }
0x89: {  	v25 =	vld [tilespmem:s31+$0x8380]  }
0x8a: {  	v26 =	vld [tilespmem:s31+$0x8390]  }
0x8b: {  	v27 =	vld [tilespmem:s31+$0x83A0]  }
0x8c: {  	v28 =	vld [tilespmem:s31+$0x83B0]  }
0x8d: {  	v29 =	vld [tilespmem:s31+$0x83C0]  }
0x8e: {  	v30 =	vld [tilespmem:s31+$0x83D0]  }
0x8f: {  	v0 =	vld [tilespmem:s31+$0x83E0]  }
0x90: {  	[tilespmem:s31+$0x200] =	vst.add.f32.msk $0xffff, v1  }
0x91: {  	[tilespmem:s31+$0x210] =	vst.add.f32.msk $0xffff, v2  }
0x92: {  	[tilespmem:s31+$0x220] =	vst.add.f32.msk $0xffff, v3  }
0x93: {  	[tilespmem:s31+$0x230] =	vst.add.f32.msk $0xffff, v4  }
0x94: {  	[tilespmem:s31+$0x240] =	vst.add.f32.msk $0xffff, v5  }
0x95: {  	[tilespmem:s31+$0x250] =	vst.add.f32.msk $0xffff, v6  }
0x96: {  	[tilespmem:s31+$0x260] =	vst.add.f32.msk $0xffff, v7  }
0x97: {  	[tilespmem:s31+$0x270] =	vst.add.f32.msk $0xffff, v8  }
0x98: {  	[tilespmem:s31+$0x280] =	vst.add.f32.msk $0xffff, v9  }
0x99: {  	[tilespmem:s31+$0x290] =	vst.add.f32.msk $0xffff, v10  }
0x9a: {  	[tilespmem:s31+$0x2A0] =	vst.add.f32.msk $0xffff, v11  }
0x9b: {  	[tilespmem:s31+$0x2B0] =	vst.add.f32.msk $0xffff, v12  }
0x9c: {  	[tilespmem:s31+$0x2C0] =	vst.add.f32.msk $0xffff, v13  }
0x9d: {  	[tilespmem:s31+$0x2D0] =	vst.add.f32.msk $0xffff, v14  }
0x9e: {  	[tilespmem:s31+$0x2E0] =	vst.add.f32.msk $0xffff, v15  }
0x9f: {  	[tilespmem:s31+$0x2F0] =	vst.add.f32.msk $0xffff, v16  }
0xa0: {  	[tilespmem:s31+$0x300] =	vst.add.f32.msk $0xffff, v17  }
0xa1: {  	[tilespmem:s31+$0x310] =	vst.add.f32.msk $0xffff, v18  }
0xa2: {  	[tilespmem:s31+$0x320] =	vst.add.f32.msk $0xffff, v19  }
0xa3: {  	[tilespmem:s31+$0x330] =	vst.add.f32.msk $0xffff, v20  }
0xa4: {  	[tilespmem:s31+$0x340] =	vst.add.f32.msk $0xffff, v21  }
0xa5: {  	[tilespmem:s31+$0x350] =	vst.add.f32.msk $0xffff, v22  }
0xa6: {  	[tilespmem:s31+$0x360] =	vst.add.f32.msk $0xffff, v23  }
0xa7: {  	[tilespmem:s31+$0x370] =	vst.add.f32.msk $0xffff, v24  }
0xa8: {  	[tilespmem:s31+$0x380] =	vst.add.f32.msk $0xffff, v25  }
.Ltmp3:
0xa9: {  	[tilespmem:s31+$0x390] =	vst.add.f32.msk $0xffff, v26;
	(pc) =	sbr.rel @p1 .LBB2_7-.Ltmp3, $4  }
0xaa: {  	[tilespmem:s31+$0x3A0] =	vst.add.f32.msk $0xffff, v27  }
0xab: {  	[tilespmem:s31+$0x3B0] =	vst.add.f32.msk $0xffff, v28  }
0xac: {  	[tilespmem:s31+$0x3C0] =	vst.add.f32.msk $0xffff, v29  }
0xad: {  	s0 =	sadd.s32 $0x800, s0;
	[tilespmem:s31+$0x3D0] =	vst.add.f32.msk $0xffff, v30  }
0xae: {  	s0 =	sshll.u32 s30, $0xB  }
0xaf: {  	[tilespmem:s31+$0x3E0] =	vst.add.f32.msk $0xffff, v0;
	s0 =	sadd.s32 s4, s0  }
0xb0: {  	[hbm4b:s0+s5] =	stream.linear.scatter [tilespmem:s14], [sflag:$0x7], $0x4000, $0x38;
	[tilespmem:$0x10200] =	vst v63  }
0xb1: {  	_ =	swait.ge [sflag:s22], $0x4000  }
0xb2: {  	[sflag:s22] =	ssyncset.done $0x0  }
0xb3: {  	[sflag:s22] =	ssyncadd.s32 $0xFFFFC000  }
0xb4: {  	_ =	swait.ge [sflag:s23], $0x4000  }
0xb5: {  	[sflag:s23] =	ssyncset.done $0x0  }
0xb6: {  	s0 =	simm.s32 @!p0 $0x1;
	[sflag:s23] =	ssyncadd.s32 $0xFFFFC000  }
0xb7: {  	_ =	swait.ge @!p0 [sflag:s0], $0x100  }
0xb8: {  	[sflag:s0] =	ssyncset.done @!p0 $0x0  }
0xb9: {  	[sflag:s0] =	ssyncadd.s32 @!p0 $0xFFFFFF00;
	s0 =	simm.s32 @!p0 $0x7  }
0xba: {  	_ =	swait.ge @!p0 [sflag:s0], $0x4000  }
0xbb: {  	s2 =	sadd.s32 s29, s7;
	s30 =	simm.s32 @!p0 $0x0;
	[sflag:s0] =	ssyncset.done @!p0 $0x0  }
0xbc: {  	s29 =	simm.s32 @!p0 $0x200;
	[sflag:s0] =	ssyncadd.s32 @!p0 $0xFFFFC000;
	s0 =	simm.s32 @!p0 $0x80  }
0xbd: {  	[tilespmem:s29], [sflag:$0x3] =	stream.indirect.gather @!p0 [hbm4b:s1+s0], $0x80, s30, s0, $0xb8;
	[tilespmem:$0x10200] =	vst v63  }
0xbe: {  	s29 =	sadd.s32 $0x1, s2;
	s2 =	simm.s32 @!p0 $0x8200  }
0xbf: {  	[tilespmem:s2], [sflag:$0x5] =	stream.indirect.gather @!p0 [hbm4b:s3+s0], $0x80, s0, s0, $0xb8;
	[tilespmem:$0x10200] =	vst v63  }
0xc0: {  	s0 =	sshll.u32 @!p0 s29, $0x5  }
0xc1: {  	s2 =	simm.s32 @!p0 $0x100;
	s0 =	sadd.s32 @!p0 s0, s9  }
0xc2: {  	[tilespmem:s2], [sflag:$0x2] =	stream.linear.gather @!p0 [hbm4b:s0+s30], $0x100, $0x38;
	[tilespmem:$0x10200] =	vst v63  }
0xc3: {  	s30 =	simm.s32 $0x0  }
0xc4: {  	v0 =	vld [tilespmem:s30+$0xC3F0]  }
0xc5: {  	v1 =	vld [tilespmem:s30+$0xC200]  }
0xc6: {  	v2 =	vld [tilespmem:s30+$0xC210]  }
0xc7: {  	v3 =	vld [tilespmem:s30+$0xC220]  }
0xc8: {  	v4 =	vld [tilespmem:s30+$0xC230]  }
0xc9: {  	v5 =	vld [tilespmem:s30+$0xC240]  }
0xca: {  	v6 =	vld [tilespmem:s30+$0xC250]  }
0xcb: {  	v7 =	vld [tilespmem:s30+$0xC260]  }
0xcc: {  	v8 =	vld [tilespmem:s30+$0xC270]  }
0xcd: {  	v9 =	vld [tilespmem:s30+$0xC280]  }
0xce: {  	v10 =	vld [tilespmem:s30+$0xC290]  }
0xcf: {  	v11 =	vld [tilespmem:s30+$0xC2A0]  }
0xd0: {  	v12 =	vld [tilespmem:s30+$0xC2B0]  }
0xd1: {  	v13 =	vld [tilespmem:s30+$0xC2C0]  }
0xd2: {  	v14 =	vld [tilespmem:s30+$0xC2D0]  }
0xd3: {  	v15 =	vld [tilespmem:s30+$0xC2E0]  }
0xd4: {  	v16 =	vld [tilespmem:s30+$0xC2F0]  }
0xd5: {  	v17 =	vld [tilespmem:s30+$0xC300]  }
0xd6: {  	v18 =	vld [tilespmem:s30+$0xC310]  }
0xd7: {  	v19 =	vld [tilespmem:s30+$0xC320]  }
0xd8: {  	v20 =	vld [tilespmem:s30+$0xC330]  }
0xd9: {  	v21 =	vld [tilespmem:s30+$0xC340]  }
0xda: {  	v22 =	vld [tilespmem:s30+$0xC350]  }
0xdb: {  	v23 =	vld [tilespmem:s30+$0xC360]  }
0xdc: {  	v24 =	vld [tilespmem:s30+$0xC370]  }
0xdd: {  	v25 =	vld [tilespmem:s30+$0xC380]  }
0xde: {  	v26 =	vld [tilespmem:s30+$0xC390]  }
0xdf: {  	v27 =	vld [tilespmem:s30+$0xC3A0]  }
0xe0: {  	v28 =	vld [tilespmem:s30+$0xC3B0]  }
0xe1: {  	v29 =	vld [tilespmem:s30+$0xC3C0]  }
0xe2: {  	v30 =	vld [tilespmem:s30+$0xC3D0]  }
0xe3: {  	[tilespmem:s30+$0x43F0] =	vst.add.f32.msk $0xffff, v0  }
0xe4: {  	v0 =	vld [tilespmem:s30+$0xC3E0]  }
0xe5: {  	[tilespmem:s30+$0x4200] =	vst.add.f32.msk $0xffff, v1  }
0xe6: {  	[tilespmem:s30+$0x4210] =	vst.add.f32.msk $0xffff, v2  }
0xe7: {  	[tilespmem:s30+$0x4220] =	vst.add.f32.msk $0xffff, v3  }
0xe8: {  	[tilespmem:s30+$0x4230] =	vst.add.f32.msk $0xffff, v4  }
0xe9: {  	[tilespmem:s30+$0x4240] =	vst.add.f32.msk $0xffff, v5  }
0xea: {  	[tilespmem:s30+$0x4250] =	vst.add.f32.msk $0xffff, v6  }
0xeb: {  	[tilespmem:s30+$0x4260] =	vst.add.f32.msk $0xffff, v7  }
0xec: {  	[tilespmem:s30+$0x4270] =	vst.add.f32.msk $0xffff, v8  }
0xed: {  	[tilespmem:s30+$0x4280] =	vst.add.f32.msk $0xffff, v9  }
0xee: {  	[tilespmem:s30+$0x4290] =	vst.add.f32.msk $0xffff, v10  }
0xef: {  	[tilespmem:s30+$0x42A0] =	vst.add.f32.msk $0xffff, v11  }
0xf0: {  	[tilespmem:s30+$0x42B0] =	vst.add.f32.msk $0xffff, v12  }
0xf1: {  	[tilespmem:s30+$0x42C0] =	vst.add.f32.msk $0xffff, v13  }
0xf2: {  	[tilespmem:s30+$0x42D0] =	vst.add.f32.msk $0xffff, v14  }
0xf3: {  	[tilespmem:s30+$0x42E0] =	vst.add.f32.msk $0xffff, v15  }
0xf4: {  	[tilespmem:s30+$0x42F0] =	vst.add.f32.msk $0xffff, v16  }
0xf5: {  	[tilespmem:s30+$0x4300] =	vst.add.f32.msk $0xffff, v17  }
0xf6: {  	[tilespmem:s30+$0x4310] =	vst.add.f32.msk $0xffff, v18  }
0xf7: {  	[tilespmem:s30+$0x4320] =	vst.add.f32.msk $0xffff, v19  }
0xf8: {  	[tilespmem:s30+$0x4330] =	vst.add.f32.msk $0xffff, v20  }
0xf9: {  	[tilespmem:s30+$0x4340] =	vst.add.f32.msk $0xffff, v21  }
0xfa: {  	[tilespmem:s30+$0x4350] =	vst.add.f32.msk $0xffff, v22  }
0xfb: {  	[tilespmem:s30+$0x4360] =	vst.add.f32.msk $0xffff, v23  }
0xfc: {  	[tilespmem:s30+$0x4370] =	vst.add.f32.msk $0xffff, v24  }
0xfd: {  	[tilespmem:s30+$0x4380] =	vst.add.f32.msk $0xffff, v25  }
0xfe: {  	[tilespmem:s30+$0x4390] =	vst.add.f32.msk $0xffff, v26  }
0xff: {  	[tilespmem:s30+$0x43A0] =	vst.add.f32.msk $0xffff, v27  }
0x100: {  	[tilespmem:s30+$0x43B0] =	vst.add.f32.msk $0xffff, v28  }
0x101: {  	[tilespmem:s30+$0x43C0] =	vst.add.f32.msk $0xffff, v29  }
0x102: {  	s2 =	simm.s32 $0x0;
	s0 =	simm.s32 $0x800;
	[tilespmem:s30+$0x43D0] =	vst.add.f32.msk $0xffff, v30  }
.LBB2_9:
0x103: {  	s2 =	sadd.s32 $0x4, s2;
	[tilespmem:s30+$0x43E0] =	vst.add.f32.msk $0xffff, v0;
	s30 =	sshra.s32 s0, $0x2  }
0x104: {  	v0 =	vld [tilespmem:s30+$0xC3F0];
	p0 =	slt.u32 s2, $0x7C  }
0x105: {  	v1 =	vld [tilespmem:s30+$0xC200]  }
0x106: {  	v2 =	vld [tilespmem:s30+$0xC210]  }
0x107: {  	v3 =	vld [tilespmem:s30+$0xC220]  }
0x108: {  	v4 =	vld [tilespmem:s30+$0xC230]  }
0x109: {  	[tilespmem:s30+$0x43F0] =	vst.add.f32.msk $0xffff, v0  }
0x10a: {  	v5 =	vld [tilespmem:s30+$0xC240]  }
0x10b: {  	v6 =	vld [tilespmem:s30+$0xC250]  }
0x10c: {  	v7 =	vld [tilespmem:s30+$0xC260]  }
0x10d: {  	v8 =	vld [tilespmem:s30+$0xC270]  }
0x10e: {  	v9 =	vld [tilespmem:s30+$0xC280]  }
0x10f: {  	v10 =	vld [tilespmem:s30+$0xC290]  }
0x110: {  	v11 =	vld [tilespmem:s30+$0xC2A0]  }
0x111: {  	v12 =	vld [tilespmem:s30+$0xC2B0]  }
0x112: {  	v13 =	vld [tilespmem:s30+$0xC2C0]  }
0x113: {  	v14 =	vld [tilespmem:s30+$0xC2D0]  }
0x114: {  	v15 =	vld [tilespmem:s30+$0xC2E0]  }
0x115: {  	v16 =	vld [tilespmem:s30+$0xC2F0]  }
0x116: {  	v17 =	vld [tilespmem:s30+$0xC300]  }
0x117: {  	v18 =	vld [tilespmem:s30+$0xC310]  }
0x118: {  	v19 =	vld [tilespmem:s30+$0xC320]  }
0x119: {  	v20 =	vld [tilespmem:s30+$0xC330]  }
0x11a: {  	v21 =	vld [tilespmem:s30+$0xC340]  }
0x11b: {  	v22 =	vld [tilespmem:s30+$0xC350]  }
0x11c: {  	v23 =	vld [tilespmem:s30+$0xC360]  }
0x11d: {  	v24 =	vld [tilespmem:s30+$0xC370]  }
0x11e: {  	v25 =	vld [tilespmem:s30+$0xC380]  }
0x11f: {  	v26 =	vld [tilespmem:s30+$0xC390]  }
0x120: {  	v27 =	vld [tilespmem:s30+$0xC3A0]  }
0x121: {  	v28 =	vld [tilespmem:s30+$0xC3B0]  }
0x122: {  	v29 =	vld [tilespmem:s30+$0xC3C0]  }
0x123: {  	v30 =	vld [tilespmem:s30+$0xC3D0]  }
0x124: {  	v0 =	vld [tilespmem:s30+$0xC3E0]  }
0x125: {  	[tilespmem:s30+$0x4200] =	vst.add.f32.msk $0xffff, v1  }
0x126: {  	[tilespmem:s30+$0x4210] =	vst.add.f32.msk $0xffff, v2  }
0x127: {  	[tilespmem:s30+$0x4220] =	vst.add.f32.msk $0xffff, v3  }
0x128: {  	[tilespmem:s30+$0x4230] =	vst.add.f32.msk $0xffff, v4  }
0x129: {  	[tilespmem:s30+$0x4240] =	vst.add.f32.msk $0xffff, v5  }
0x12a: {  	[tilespmem:s30+$0x4250] =	vst.add.f32.msk $0xffff, v6  }
0x12b: {  	[tilespmem:s30+$0x4260] =	vst.add.f32.msk $0xffff, v7  }
0x12c: {  	[tilespmem:s30+$0x4270] =	vst.add.f32.msk $0xffff, v8  }
0x12d: {  	[tilespmem:s30+$0x4280] =	vst.add.f32.msk $0xffff, v9  }
0x12e: {  	[tilespmem:s30+$0x4290] =	vst.add.f32.msk $0xffff, v10  }
0x12f: {  	[tilespmem:s30+$0x42A0] =	vst.add.f32.msk $0xffff, v11  }
0x130: {  	[tilespmem:s30+$0x42B0] =	vst.add.f32.msk $0xffff, v12  }
0x131: {  	[tilespmem:s30+$0x42C0] =	vst.add.f32.msk $0xffff, v13  }
0x132: {  	[tilespmem:s30+$0x42D0] =	vst.add.f32.msk $0xffff, v14  }
0x133: {  	[tilespmem:s30+$0x42E0] =	vst.add.f32.msk $0xffff, v15  }
0x134: {  	[tilespmem:s30+$0x42F0] =	vst.add.f32.msk $0xffff, v16  }
0x135: {  	[tilespmem:s30+$0x4300] =	vst.add.f32.msk $0xffff, v17  }
0x136: {  	[tilespmem:s30+$0x4310] =	vst.add.f32.msk $0xffff, v18  }
0x137: {  	[tilespmem:s30+$0x4320] =	vst.add.f32.msk $0xffff, v19  }
0x138: {  	[tilespmem:s30+$0x4330] =	vst.add.f32.msk $0xffff, v20  }
0x139: {  	[tilespmem:s30+$0x4340] =	vst.add.f32.msk $0xffff, v21  }
0x13a: {  	[tilespmem:s30+$0x4350] =	vst.add.f32.msk $0xffff, v22  }
0x13b: {  	[tilespmem:s30+$0x4360] =	vst.add.f32.msk $0xffff, v23  }
0x13c: {  	[tilespmem:s30+$0x4370] =	vst.add.f32.msk $0xffff, v24  }
0x13d: {  	[tilespmem:s30+$0x4380] =	vst.add.f32.msk $0xffff, v25  }
.Ltmp4:
0x13e: {  	[tilespmem:s30+$0x4390] =	vst.add.f32.msk $0xffff, v26;
	(pc) =	sbr.rel @p0 .LBB2_9-.Ltmp4, $4  }
0x13f: {  	[tilespmem:s30+$0x43A0] =	vst.add.f32.msk $0xffff, v27  }
0x140: {  	[tilespmem:s30+$0x43B0] =	vst.add.f32.msk $0xffff, v28  }
0x141: {  	[tilespmem:s30+$0x43C0] =	vst.add.f32.msk $0xffff, v29  }
0x142: {  	s0 =	sadd.s32 $0x800, s0;
	[tilespmem:s30+$0x43D0] =	vst.add.f32.msk $0xffff, v30  }
0x143: {  	s28 =	sadd.s32 $0x1, s28  }
0x144: {  	p0 =	sne.s32 s28, $0x64  }
.Ltmp5:
0x145: {  	_ = 	snop;
	(pc) =	sbr.rel @p0 .LBB2_2-.Ltmp5, $4  }
0x146: {  	s0 =	sshll.u32 s29, $0xB  }
0x147: {  	s0 =	sand.u32 $0x1FFFF800, s0  }
0x148: {  	[tilespmem:s30+$0x43E0] =	vst.add.f32.msk $0xffff, v0;
	s0 =	sadd.s32 s4, s0  }
0x149: {  	[hbm4b:s0+s5] =	stream.linear.scatter [tilespmem:s19], [sflag:$0x8], $0x4000, $0x38;
	[tilespmem:$0x10200] =	vst v63  }
0x14a: {  	s26 =	sadd.s32 $0x1, s26  }
0x14b: {  	_ =	swait.ge [sflag:s24], $0x4000;
	p0 =	sne.s32 s26, s10  }
.Ltmp6:
0x14c: {  	[sflag:s24] =	ssyncset.done $0x0;
	(pc) =	sbr.rel @p0 .LBB2_1-.Ltmp6, $4  }
0x14d: {  	[sflag:s24] =	ssyncadd.s32 $0xFFFFC000  }
0x14e: {  	_ =	swait.ge [sflag:s25], $0x4000  }
0x14f: {  	[sflag:s25] =	ssyncset.done $0x0  }
0x150: {  	[sflag:s25] =	ssyncadd.s32 $0xFFFFC000  }
0x151: {  	_ =	sfence.sel $0x180000  }
0x152: {  	[bflag:$0x0] =	sbarrier.arrive $0xFFFF  }
0x153: {  	_ =	strace $0x90000047  }
0x154: {  	s0 =	stileid.u32;
	[bflag:$0x2] =	sbarrier.arrive $0xFFFF  }
0x155: {  	p0 =	sne.s32 s0, $0x0;
	s0 =	rddreg [dreg:$0x4]  }
0x156: {  	s0 =	sadd.s32 @!p0 $0x100000, s0  }
0x157: {  	[sflag:s0] =	ssyncadd.tile.s32 @!p0 $0x1;
	_ =	shalt  }
.Lfunc_end2:
_tile_overlayer_lowered:
.L_overlay_start_2:
0x158: {  	(tag) =	ssettag $0x2  }
0x159: {  	s0 =	rddreg [dreg:$0x0];
	s2 =	stileid.u32  }
0x15a: {  	s1 =	rddreg [dreg:$0x1];
	p0 =	sne.s32 s2, $0x0  }
0x15b: {  	s3 =	rddreg [dreg:$0x2];
	[bflag:$0x3] =	sbarrier.arrive $0xFFFF;
	s2 =	simm.s32 @!p0 $0x1C09  }
0x15c: {  	[timem:s3], [sflag:s2] =	dma.local @!p0 [hbm:s0], s1  }
0x15d: {  	s0 =	simm.s32 @!p0 $0x9  }
0x15e: {  	_ =	swait.ge @!p0 [sflag:s0], s1  }
0x15f: {  	s1 =	ssub.s32 @!p0 $0x0, s1;
	[sflag:s0] =	ssyncset.done @!p0 $0x0  }
0x160: {  	[sflag:s0] =	ssyncadd.s32 @!p0 s1  }
0x161: {  	[bflag:$0x3] =	sbarrier.arrive $0xFFFF  }
0x162: {  	_ =	shalt  }

</sc_bundles>
